<compile_context>
chip_gen: v7x
topology: tpu7x:2x2x1
jax: 0.10.2.dev20260603
libtpu: 0.0.44.dev20260713+nightly
codegen_flags: <defaults>
</compile_context>

<pallas_src>
import functools

import jax
import jax.numpy as jnp
from jax import lax
from jax.experimental import pallas as pl
from jax.experimental.pallas import tpu as pltpu
from jax.experimental.pallas import tpu_sc as plsc

NC = 2
NS = 16
NW = NC * NS
LANES = 16

EDGE_CHUNK = 128
CHUNKS_PER_TILE = 40


def _xw_body(x_ref, w_ref, y_ref):
    xb = x_ref[...]
    for r in range(w_ref.shape[0]):
        y_ref[r] = jnp.dot(xb, w_ref[r], preferred_element_type=jnp.float32)


def _relation_transform(x, weight):
    n, in_feat = x.shape
    num_rels, _, out_feat = weight.shape
    blk = 1000
    return pl.pallas_call(
        _xw_body,
        grid=(n // blk,),
        in_specs=[
            pl.BlockSpec((blk, in_feat), lambda i: (i, 0)),
            pl.BlockSpec((num_rels, in_feat, out_feat), lambda i: (0, 0, 0)),
        ],
        out_specs=pl.BlockSpec((num_rels, blk, out_feat), lambda i: (0, i, 0)),
        out_shape=jax.ShapeDtypeStruct((num_rels, n, out_feat), jnp.float32),
    )(x, weight)


def _make_scatter(n, out_feat, num_rels):
    n_pad = ((n + 8 * NS - 1) // (8 * NS)) * (8 * NS)
    rows_per_tile = n_pad // NS
    kpt = CHUNKS_PER_TILE
    passes = 2
    mesh = plsc.VectorSubcoreMesh(
        core_axis_name="c", subcore_axis_name="s", num_cores=1, num_subcores=NS
    )

    @functools.partial(
        pl.kernel,
        mesh=mesh,
        out_type=jax.ShapeDtypeStruct((n_pad, out_feat), jnp.float32),
        scratch_types=[
            pltpu.VMEM((kpt, EDGE_CHUNK), jnp.int32),
            pltpu.VMEM((kpt, EDGE_CHUNK), jnp.int32),
            pltpu.VMEM((kpt, EDGE_CHUNK), jnp.int32),
            pltpu.VMEM((2, EDGE_CHUNK, out_feat), jnp.float32),
            pltpu.VMEM_SHARED((n_pad, out_feat), jnp.float32),
            pltpu.SemaphoreType.DMA,
        ],
    )
    def scatter_kernel(y_hbm, src_hbm, rel_hbm, dst_hbm, out_hbm,
                       relb, dstb, idxb, rows, acc, sem):
        s = lax.axis_index("s")
        r0 = s * rows_per_tile

        def zero_row(i, _):
            def zero_col(j, _):
                rows[0, i, pl.ds(j * LANES, LANES)] = jnp.zeros(
                    (LANES,), jnp.float32)
                return 0
            return lax.fori_loop(0, out_feat // LANES, zero_col, 0)

        lax.fori_loop(0, EDGE_CHUNK, zero_row, 0)

        nfull = rows_per_tile // EDGE_CHUNK
        for t in range(nfull):
            pltpu.sync_copy(rows.at[0],
                            acc.at[pl.ds(r0 + t * EDGE_CHUNK, EDGE_CHUNK)])
        tail = rows_per_tile - nfull * EDGE_CHUNK
        if tail:
            pltpu.sync_copy(rows.at[0, pl.ds(0, tail)],
                            acc.at[pl.ds(r0 + nfull * EDGE_CHUNK, tail)])
        plsc.subcore_barrier()

        for p in range(passes):
            row0 = pl.multiple_of((s * passes + p) * kpt, 8)
            pltpu.sync_copy(src_hbm.at[pl.ds(row0, kpt)], idxb)
            pltpu.sync_copy(rel_hbm.at[pl.ds(row0, kpt)], relb)
            pltpu.sync_copy(dst_hbm.at[pl.ds(row0, kpt)], dstb)

            def idx_row(k, _):
                for j in range(EDGE_CHUNK // LANES):
                    sl = pl.ds(j * LANES, LANES)
                    idxb[k, sl] = relb[k, sl] * n + idxb[k, sl]
                return 0

            lax.fori_loop(0, kpt, idx_row, 0)

            pltpu.async_copy(y_hbm.at[idxb.at[0]], rows.at[0], sem)

            def body(k, _):
                b = lax.rem(k, 2)

                @pl.when(k + 1 < kpt)
                def _start_next():
                    pltpu.async_copy(
                        y_hbm.at[idxb.at[k + 1]], rows.at[1 - b], sem)

                pltpu.make_async_copy(
                    y_hbm.at[idxb.at[k]], rows.at[b], sem).wait()
                pltpu.sync_copy(rows.at[b], acc.at[dstb.at[k]], add=True)
                return 0

            lax.fori_loop(0, kpt, body, 0)

        plsc.subcore_barrier()

        pltpu.sync_copy(acc.at[pl.ds(r0, rows_per_tile)],
                        out_hbm.at[pl.ds(r0, rows_per_tile)])

    return scatter_kernel


def _fin_body(p_ref, b_ref, o_ref):
    o_ref[...] = jnp.maximum(p_ref[...] + b_ref[...], 0.0)


def _finalize(partials, bias, n):
    out_feat = partials.shape[-1]
    blk = 2000
    return pl.pallas_call(
        _fin_body,
        grid=(n // blk,),
        in_specs=[
            pl.BlockSpec((blk, out_feat), lambda i: (i, 0)),
            pl.BlockSpec((1, out_feat), lambda i: (0, 0)),
        ],
        out_specs=pl.BlockSpec((blk, out_feat), lambda i: (i, 0)),
        out_shape=jax.ShapeDtypeStruct((n, out_feat), jnp.float32),
    )(partials, bias.reshape(1, out_feat))


def kernel(x, edge_index, rel_type, weight, bias):
    n, in_feat = x.shape
    e = rel_type.shape[0]
    num_rels, _, out_feat = weight.shape

    y = _relation_transform(x, weight)
    y_flat = y.reshape(num_rels * n, out_feat)

    e_pad = NW * CHUNKS_PER_TILE * EDGE_CHUNK
    pad = e_pad - e
    n_pad = ((n + 8 * NS - 1) // (8 * NS)) * (8 * NS)
    src = jnp.concatenate(
        [edge_index[0], jnp.arange(pad, dtype=jnp.int32) % n])
    rel = jnp.concatenate([rel_type, jnp.zeros((pad,), jnp.int32)])
    dst = jnp.concatenate(
        [edge_index[1], n + (jnp.arange(pad, dtype=jnp.int32) % (n_pad - n))])
    src2 = src.reshape(-1, EDGE_CHUNK)
    rel2 = rel.reshape(-1, EDGE_CHUNK)
    dst2 = dst.reshape(-1, EDGE_CHUNK)

    partials = _make_scatter(n, out_feat, num_rels)(y_flat, src2, rel2, dst2)
    return _finalize(partials, bias, n)

# --- scband reference (transcript-rebuilt; emitter-appended) ---
"""Pipeline reference for scband-ngcnlayer-32641751450076 (READ-ONLY COPY).

The authoritative reference and input builder live on the scoring server;
editing this copy changes nothing except your own understanding.
"""

import jax, jax.numpy as jnp
import numpy as np

N = 10000
E = 160000
IN_FEAT = 128
OUT_FEAT = 128
NUM_RELS = 8


def setup_inputs(seed: int = 0) -> dict:
    key = jax.random.key(seed)
    k1, k2, k3, k4 = jax.random.split(key, 4)
    x = jax.random.normal(k1, (N, IN_FEAT), dtype=jnp.float32)
    edge_index = jax.random.randint(k2, (2, E), 0, N, dtype=jnp.int32)
    rel_type = jax.random.randint(k3, (E,), 0, NUM_RELS, dtype=jnp.int32)
    # xavier_uniform with relu gain: bound = gain * sqrt(6/(fan_in+fan_out))
    gain = float(np.sqrt(2.0))
    bound = gain * float(np.sqrt(6.0 / (IN_FEAT + OUT_FEAT)))
    weight = jax.random.uniform(k4, (NUM_RELS, IN_FEAT, OUT_FEAT), minval=-bound, maxval=bound, dtype=jnp.float32)
    bias = jnp.zeros((OUT_FEAT,), dtype=jnp.float32)
    return {"x": x, "edge_index": edge_index, "rel_type": rel_type, "weight": weight, "bias": bias}


def reference(x, edge_index, rel_type, weight, bias):
    # message_func: msg_e = x[src_e] @ weight[rel_type_e]   (per-edge relational matmul)
    # reduce: sum of msgs by dst node
    # apply_func: h = relu(h + bias)
    src = edge_index[0]
    dst = edge_index[1]
    h_src = jnp.take(x, src, axis=0)  # gather: [E, IN_FEAT]
    # compute relation-wise matmuls and select by rel_type (avoids materializing [E,IN,OUT])
    msg = jnp.zeros((E, OUT_FEAT), dtype=x.dtype)
    for r in range(NUM_RELS):
        mask_r = (rel_type == r)
        msg = msg + jnp.where(mask_r[:, None], h_src @ weight[r], 0.0)
    agg = jax.ops.segment_sum(msg, dst, num_segments=N)  # scatter-add by dst
    h = jax.nn.relu(agg + bias)
    return h

if __name__ == "__main__":
    import jax
    _d = setup_inputs()
    print(jax.jit(kernel)(*tuple(_d.values())))

</pallas_src>

<mosaic_0001>
#map = affine_map<(d0, d1) -> (0, 0)>
module attributes {stable_mosaic.version = 14 : i64} {
  func.func @scatter_kernel(%arg0: i32, %arg1: i32, %arg2: memref<80000x128xf32, #tpu.memory_space<hbm>>, %arg3: memref<1280x128xi32, #tpu.memory_space<hbm>>, %arg4: memref<1280x128xi32, #tpu.memory_space<hbm>>, %arg5: memref<1280x128xi32, #tpu.memory_space<hbm>>, %arg6: memref<10112x128xf32, #tpu.memory_space<hbm>>, %arg7: memref<40x128xi32, #tpu.memory_space<vmem>>, %arg8: memref<40x128xi32, #tpu.memory_space<vmem>>, %arg9: memref<40x128xi32, #tpu.memory_space<vmem>>, %arg10: memref<2x128x128xf32, #tpu.memory_space<vmem>>, %arg11: memref<10112x128xf32, #tpu.memory_space<vmem_shared>>, %arg12: memref<!tpu.dma_semaphore, #tpu.memory_space<semaphore_mem>>) attributes {dimension_semantics = [#tpu.dimension_semantics<core_parallel>, #tpu.dimension_semantics<subcore_parallel>], iteration_bounds = array<i64: 1, 16>, scalar_prefetch = 0 : i64, scratch_operands = 6 : i64, tpu.core_type = #tpu.core_type<sc_vector_subcore>, window_params = [{transform_indices = #map}, {transform_indices = #map}, {transform_indices = #map}, {transform_indices = #map}, {transform_indices = #map}]} {
    %mul3A = arith.constant 632 : i32
    %mul3A_0 = arith.muli %arg1, %mul3A : i32
    %scan3A = arith.constant 0 : i32
    %scan3A_1 = arith.constant 0 : i32
    %scan3A_2 = arith.constant 128 : i32
    %scan3A_3 = arith.addi %scan3A_1, %scan3A_2 : i32
    %scan3A_4 = arith.constant 1 : i32
    %scan3A_5 = scf.for %scan3A_85 = %scan3A_1 to %scan3A_3 step %scan3A_4 iter_args(%scan3A_86 = %scan3A) -> (i32)  : i32 {
      %scan3A_87 = arith.constant 0 : i32
      %scan3A_88 = arith.constant 0 : i32
      %scan3A_89 = arith.constant 8 : i32
      %scan3A_90 = arith.addi %scan3A_88, %scan3A_89 : i32
      %scan3A_91 = arith.constant 1 : i32
      %scan3A_92 = scf.for %scan3A_94 = %scan3A_88 to %scan3A_90 step %scan3A_91 iter_args(%scan3A_95 = %scan3A_87) -> (i32)  : i32 {
        %broadcast_in_dim3A = arith.constant 0.000000e+00 : f32
        %broadcast_in_dim3A_96 = vector.broadcast %broadcast_in_dim3A : f32 to vector<16xf32>
        %mul3A_97 = arith.constant 16 : i32
        %mul3A_98 = arith.muli %scan3A_94, %mul3A_97 : i32
        %swap3A = arith.constant 0 : i32
        %swap3A_99 = arith.index_cast %swap3A : i32 to index
        %swap3A_100 = arith.index_cast %scan3A_85 : i32 to index
        %swap3A_101 = arith.index_cast %mul3A_98 : i32 to index
        %swap3A_102 = tpu.vector_load %arg10[%swap3A_99, %swap3A_100, %swap3A_101] {strides = array<i32>} : memref<2x128x128xf32, #tpu.memory_space<vmem>>, vector<1x1x16xf32>,
        %swap3A_103 = vector.shape_cast %swap3A_102 : vector<1x1x16xf32> to vector<16xf32>
        %swap3A_104 = vector.shape_cast %broadcast_in_dim3A_96 : vector<16xf32> to vector<1x1x16xf32>
        tpu.vector_store %arg10[%swap3A_99, %swap3A_100, %swap3A_101], %swap3A_104 {strides = array<i32>} : memref<2x128x128xf32, #tpu.memory_space<vmem>>, vector<1x1x16xf32>,
        %scan3A_105 = arith.constant 0 : i32
        scf.yield %scan3A_105 : i32
      }
      %scan3A_93 = arith.constant 8 : i32
      scf.yield %scan3A_92 : i32
    }
    %scan3A_6 = arith.constant 128 : i32
    %add3A = arith.constant 0 : i32
    %add3A_7 = arith.addi %mul3A_0, %add3A : i32
    %run_scoped3A = arith.constant 0 : i32
    "tpu.region"() ({
      %run_scoped3A_85 = tpu.sem_alloc : memref<!tpu.dma_semaphore, #tpu.memory_space<semaphore_mem>>
      %dma_start3A_86 = arith.constant 0 : i32
      %dma_start3A_87 = arith.constant 0 : i32
      %dma_start3A_88 = tpu.memref_slice %arg10[%run_scoped3A, %dma_start3A_86, %dma_start3A_87] : memref<2x128x128xf32, #tpu.memory_space<vmem>> -> memref<1x128x128xf32, #tpu.memory_space<vmem>>
      %dma_start3A_89 = tpu.memref_squeeze %dma_start3A_88 : memref<1x128x128xf32, #tpu.memory_space<vmem>> -> memref<128x128xf32, #tpu.memory_space<vmem>>
      %dma_start3A_90 = arith.constant 0 : i32
      %dma_start3A_91 = tpu.memref_slice %arg11[%add3A_7, %dma_start3A_90] : memref<10112x128xf32, #tpu.memory_space<vmem_shared>> -> memref<128x128xf32, #tpu.memory_space<vmem_shared>>
      %dma_start3A_92 = arith.constant 0 : i32
      %dma_start3A_93 = tpu.memref_slice %arg11[%add3A_7, %dma_start3A_92] : memref<10112x128xf32, #tpu.memory_space<vmem_shared>> -> memref<128x128xf32, #tpu.memory_space<vmem_shared>>
      %dma_start3A_94 = arith.constant 0 : i32
      %dma_start3A_95 = arith.constant 0 : i32
      %dma_start3A_96 = tpu.memref_slice %arg10[%run_scoped3A, %dma_start3A_94, %dma_start3A_95] : memref<2x128x128xf32, #tpu.memory_space<vmem>> -> memref<1x128x128xf32, #tpu.memory_space<vmem>>
      %dma_start3A_97 = tpu.memref_squeeze %dma_start3A_96 : memref<1x128x128xf32, #tpu.memory_space<vmem>> -> memref<128x128xf32, #tpu.memory_space<vmem>>
      tpu.enqueue_dma source(%dma_start3A_97 : memref<128x128xf32, #tpu.memory_space<vmem>>) target(%dma_start3A_93 : memref<128x128xf32, #tpu.memory_space<vmem_shared>>) target_semaphore(%run_scoped3A_85 : memref<!tpu.dma_semaphore, #tpu.memory_space<semaphore_mem>>)
      %dma_wait3A = arith.constant 0 : i32
      %dma_wait3A_98 = arith.constant 0 : i32
      %dma_wait3A_99 = tpu.memref_slice %arg10[%run_scoped3A, %dma_wait3A, %dma_wait3A_98] : memref<2x128x128xf32, #tpu.memory_space<vmem>> -> memref<1x128x128xf32, #tpu.memory_space<vmem>>
      %dma_wait3A_100 = tpu.memref_squeeze %dma_wait3A_99 : memref<1x128x128xf32, #tpu.memory_space<vmem>> -> memref<128x128xf32, #tpu.memory_space<vmem>>
      %dma_wait3A_101 = arith.constant 0 : i32
      %dma_wait3A_102 = tpu.memref_slice %arg11[%add3A_7, %dma_wait3A_101] : memref<10112x128xf32, #tpu.memory_space<vmem_shared>> -> memref<128x128xf32, #tpu.memory_space<vmem_shared>>
      %dma_wait3A_103 = arith.constant 0 : i32
      %dma_wait3A_104 = tpu.memref_slice %arg11[%add3A_7, %dma_wait3A_103] : memref<10112x128xf32, #tpu.memory_space<vmem_shared>> -> memref<128x128xf32, #tpu.memory_space<vmem_shared>>
      %dma_wait3A_105 = arith.constant 0 : i32
      %dma_wait3A_106 = arith.constant 0 : i32
      %dma_wait3A_107 = tpu.memref_slice %arg10[%run_scoped3A, %dma_wait3A_105, %dma_wait3A_106] : memref<2x128x128xf32, #tpu.memory_space<vmem>> -> memref<1x128x128xf32, #tpu.memory_space<vmem>>
      %dma_wait3A_108 = tpu.memref_squeeze %dma_wait3A_107 : memref<1x128x128xf32, #tpu.memory_space<vmem>> -> memref<128x128xf32, #tpu.memory_space<vmem>>
      tpu.wait_dma2 semaphore(%run_scoped3A_85 : memref<!tpu.dma_semaphore, #tpu.memory_space<semaphore_mem>>) src(%dma_wait3A_108 : memref<128x128xf32, #tpu.memory_space<vmem>>) dst(%dma_wait3A_104 : memref<128x128xf32, #tpu.memory_space<vmem_shared>>)
      tpu.yield
    }) : () -> ()
    %add3A_8 = arith.constant 128 : i32
    %add3A_9 = arith.addi %mul3A_0, %add3A_8 : i32
    %run_scoped3A_10 = arith.constant 0 : i32
    "tpu.region"() ({
      %run_scoped3A_85 = tpu.sem_alloc : memref<!tpu.dma_semaphore, #tpu.memory_space<semaphore_mem>>
      %dma_start3A_86 = arith.constant 0 : i32
      %dma_start3A_87 = arith.constant 0 : i32
      %dma_start3A_88 = tpu.memref_slice %arg10[%run_scoped3A_10, %dma_start3A_86, %dma_start3A_87] : memref<2x128x128xf32, #tpu.memory_space<vmem>> -> memref<1x128x128xf32, #tpu.memory_space<vmem>>
      %dma_start3A_89 = tpu.memref_squeeze %dma_start3A_88 : memref<1x128x128xf32, #tpu.memory_space<vmem>> -> memref<128x128xf32, #tpu.memory_space<vmem>>
      %dma_start3A_90 = arith.constant 0 : i32
      %dma_start3A_91 = tpu.memref_slice %arg11[%add3A_9, %dma_start3A_90] : memref<10112x128xf32, #tpu.memory_space<vmem_shared>> -> memref<128x128xf32, #tpu.memory_space<vmem_shared>>
      %dma_start3A_92 = arith.constant 0 : i32
      %dma_start3A_93 = tpu.memref_slice %arg11[%add3A_9, %dma_start3A_92] : memref<10112x128xf32, #tpu.memory_space<vmem_shared>> -> memref<128x128xf32, #tpu.memory_space<vmem_shared>>
      %dma_start3A_94 = arith.constant 0 : i32
      %dma_start3A_95 = arith.constant 0 : i32
      %dma_start3A_96 = tpu.memref_slice %arg10[%run_scoped3A_10, %dma_start3A_94, %dma_start3A_95] : memref<2x128x128xf32, #tpu.memory_space<vmem>> -> memref<1x128x128xf32, #tpu.memory_space<vmem>>
      %dma_start3A_97 = tpu.memref_squeeze %dma_start3A_96 : memref<1x128x128xf32, #tpu.memory_space<vmem>> -> memref<128x128xf32, #tpu.memory_space<vmem>>
      tpu.enqueue_dma source(%dma_start3A_97 : memref<128x128xf32, #tpu.memory_space<vmem>>) target(%dma_start3A_93 : memref<128x128xf32, #tpu.memory_space<vmem_shared>>) target_semaphore(%run_scoped3A_85 : memref<!tpu.dma_semaphore, #tpu.memory_space<semaphore_mem>>)
      %dma_wait3A = arith.constant 0 : i32
      %dma_wait3A_98 = arith.constant 0 : i32
      %dma_wait3A_99 = tpu.memref_slice %arg10[%run_scoped3A_10, %dma_wait3A, %dma_wait3A_98] : memref<2x128x128xf32, #tpu.memory_space<vmem>> -> memref<1x128x128xf32, #tpu.memory_space<vmem>>
      %dma_wait3A_100 = tpu.memref_squeeze %dma_wait3A_99 : memref<1x128x128xf32, #tpu.memory_space<vmem>> -> memref<128x128xf32, #tpu.memory_space<vmem>>
      %dma_wait3A_101 = arith.constant 0 : i32
      %dma_wait3A_102 = tpu.memref_slice %arg11[%add3A_9, %dma_wait3A_101] : memref<10112x128xf32, #tpu.memory_space<vmem_shared>> -> memref<128x128xf32, #tpu.memory_space<vmem_shared>>
      %dma_wait3A_103 = arith.constant 0 : i32
      %dma_wait3A_104 = tpu.memref_slice %arg11[%add3A_9, %dma_wait3A_103] : memref<10112x128xf32, #tpu.memory_space<vmem_shared>> -> memref<128x128xf32, #tpu.memory_space<vmem_shared>>
      %dma_wait3A_105 = arith.constant 0 : i32
      %dma_wait3A_106 = arith.constant 0 : i32
      %dma_wait3A_107 = tpu.memref_slice %arg10[%run_scoped3A_10, %dma_wait3A_105, %dma_wait3A_106] : memref<2x128x128xf32, #tpu.memory_space<vmem>> -> memref<1x128x128xf32, #tpu.memory_space<vmem>>
      %dma_wait3A_108 = tpu.memref_squeeze %dma_wait3A_107 : memref<1x128x128xf32, #tpu.memory_space<vmem>> -> memref<128x128xf32, #tpu.memory_space<vmem>>
      tpu.wait_dma2 semaphore(%run_scoped3A_85 : memref<!tpu.dma_semaphore, #tpu.memory_space<semaphore_mem>>) src(%dma_wait3A_108 : memref<128x128xf32, #tpu.memory_space<vmem>>) dst(%dma_wait3A_104 : memref<128x128xf32, #tpu.memory_space<vmem_shared>>)
      tpu.yield
    }) : () -> ()
    %add3A_11 = arith.constant 256 : i32
    %add3A_12 = arith.addi %mul3A_0, %add3A_11 : i32
    %run_scoped3A_13 = arith.constant 0 : i32
    "tpu.region"() ({
      %run_scoped3A_85 = tpu.sem_alloc : memref<!tpu.dma_semaphore, #tpu.memory_space<semaphore_mem>>
      %dma_start3A_86 = arith.constant 0 : i32
      %dma_start3A_87 = arith.constant 0 : i32
      %dma_start3A_88 = tpu.memref_slice %arg10[%run_scoped3A_13, %dma_start3A_86, %dma_start3A_87] : memref<2x128x128xf32, #tpu.memory_space<vmem>> -> memref<1x128x128xf32, #tpu.memory_space<vmem>>
      %dma_start3A_89 = tpu.memref_squeeze %dma_start3A_88 : memref<1x128x128xf32, #tpu.memory_space<vmem>> -> memref<128x128xf32, #tpu.memory_space<vmem>>
      %dma_start3A_90 = arith.constant 0 : i32
      %dma_start3A_91 = tpu.memref_slice %arg11[%add3A_12, %dma_start3A_90] : memref<10112x128xf32, #tpu.memory_space<vmem_shared>> -> memref<128x128xf32, #tpu.memory_space<vmem_shared>>
      %dma_start3A_92 = arith.constant 0 : i32
      %dma_start3A_93 = tpu.memref_slice %arg11[%add3A_12, %dma_start3A_92] : memref<10112x128xf32, #tpu.memory_space<vmem_shared>> -> memref<128x128xf32, #tpu.memory_space<vmem_shared>>
      %dma_start3A_94 = arith.constant 0 : i32
      %dma_start3A_95 = arith.constant 0 : i32
      %dma_start3A_96 = tpu.memref_slice %arg10[%run_scoped3A_13, %dma_start3A_94, %dma_start3A_95] : memref<2x128x128xf32, #tpu.memory_space<vmem>> -> memref<1x128x128xf32, #tpu.memory_space<vmem>>
      %dma_start3A_97 = tpu.memref_squeeze %dma_start3A_96 : memref<1x128x128xf32, #tpu.memory_space<vmem>> -> memref<128x128xf32, #tpu.memory_space<vmem>>
      tpu.enqueue_dma source(%dma_start3A_97 : memref<128x128xf32, #tpu.memory_space<vmem>>) target(%dma_start3A_93 : memref<128x128xf32, #tpu.memory_space<vmem_shared>>) target_semaphore(%run_scoped3A_85 : memref<!tpu.dma_semaphore, #tpu.memory_space<semaphore_mem>>)
      %dma_wait3A = arith.constant 0 : i32
      %dma_wait3A_98 = arith.constant 0 : i32
      %dma_wait3A_99 = tpu.memref_slice %arg10[%run_scoped3A_13, %dma_wait3A, %dma_wait3A_98] : memref<2x128x128xf32, #tpu.memory_space<vmem>> -> memref<1x128x128xf32, #tpu.memory_space<vmem>>
      %dma_wait3A_100 = tpu.memref_squeeze %dma_wait3A_99 : memref<1x128x128xf32, #tpu.memory_space<vmem>> -> memref<128x128xf32, #tpu.memory_space<vmem>>
      %dma_wait3A_101 = arith.constant 0 : i32
      %dma_wait3A_102 = tpu.memref_slice %arg11[%add3A_12, %dma_wait3A_101] : memref<10112x128xf32, #tpu.memory_space<vmem_shared>> -> memref<128x128xf32, #tpu.memory_space<vmem_shared>>
      %dma_wait3A_103 = arith.constant 0 : i32
      %dma_wait3A_104 = tpu.memref_slice %arg11[%add3A_12, %dma_wait3A_103] : memref<10112x128xf32, #tpu.memory_space<vmem_shared>> -> memref<128x128xf32, #tpu.memory_space<vmem_shared>>
      %dma_wait3A_105 = arith.constant 0 : i32
      %dma_wait3A_106 = arith.constant 0 : i32
      %dma_wait3A_107 = tpu.memref_slice %arg10[%run_scoped3A_13, %dma_wait3A_105, %dma_wait3A_106] : memref<2x128x128xf32, #tpu.memory_space<vmem>> -> memref<1x128x128xf32, #tpu.memory_space<vmem>>
      %dma_wait3A_108 = tpu.memref_squeeze %dma_wait3A_107 : memref<1x128x128xf32, #tpu.memory_space<vmem>> -> memref<128x128xf32, #tpu.memory_space<vmem>>
      tpu.wait_dma2 semaphore(%run_scoped3A_85 : memref<!tpu.dma_semaphore, #tpu.memory_space<semaphore_mem>>) src(%dma_wait3A_108 : memref<128x128xf32, #tpu.memory_space<vmem>>) dst(%dma_wait3A_104 : memref<128x128xf32, #tpu.memory_space<vmem_shared>>)
      tpu.yield
    }) : () -> ()
    %add3A_14 = arith.constant 384 : i32
    %add3A_15 = arith.addi %mul3A_0, %add3A_14 : i32
    %run_scoped3A_16 = arith.constant 0 : i32
    "tpu.region"() ({
      %run_scoped3A_85 = tpu.sem_alloc : memref<!tpu.dma_semaphore, #tpu.memory_space<semaphore_mem>>
      %dma_start3A_86 = arith.constant 0 : i32
      %dma_start3A_87 = arith.constant 0 : i32
      %dma_start3A_88 = tpu.memref_slice %arg10[%run_scoped3A_16, %dma_start3A_86, %dma_start3A_87] : memref<2x128x128xf32, #tpu.memory_space<vmem>> -> memref<1x128x128xf32, #tpu.memory_space<vmem>>
      %dma_start3A_89 = tpu.memref_squeeze %dma_start3A_88 : memref<1x128x128xf32, #tpu.memory_space<vmem>> -> memref<128x128xf32, #tpu.memory_space<vmem>>
      %dma_start3A_90 = arith.constant 0 : i32
      %dma_start3A_91 = tpu.memref_slice %arg11[%add3A_15, %dma_start3A_90] : memref<10112x128xf32, #tpu.memory_space<vmem_shared>> -> memref<128x128xf32, #tpu.memory_space<vmem_shared>>
      %dma_start3A_92 = arith.constant 0 : i32
      %dma_start3A_93 = tpu.memref_slice %arg11[%add3A_15, %dma_start3A_92] : memref<10112x128xf32, #tpu.memory_space<vmem_shared>> -> memref<128x128xf32, #tpu.memory_space<vmem_shared>>
      %dma_start3A_94 = arith.constant 0 : i32
      %dma_start3A_95 = arith.constant 0 : i32
      %dma_start3A_96 = tpu.memref_slice %arg10[%run_scoped3A_16, %dma_start3A_94, %dma_start3A_95] : memref<2x128x128xf32, #tpu.memory_space<vmem>> -> memref<1x128x128xf32, #tpu.memory_space<vmem>>
      %dma_start3A_97 = tpu.memref_squeeze %dma_start3A_96 : memref<1x128x128xf32, #tpu.memory_space<vmem>> -> memref<128x128xf32, #tpu.memory_space<vmem>>
      tpu.enqueue_dma source(%dma_start3A_97 : memref<128x128xf32, #tpu.memory_space<vmem>>) target(%dma_start3A_93 : memref<128x128xf32, #tpu.memory_space<vmem_shared>>) target_semaphore(%run_scoped3A_85 : memref<!tpu.dma_semaphore, #tpu.memory_space<semaphore_mem>>)
      %dma_wait3A = arith.constant 0 : i32
      %dma_wait3A_98 = arith.constant 0 : i32
      %dma_wait3A_99 = tpu.memref_slice %arg10[%run_scoped3A_16, %dma_wait3A, %dma_wait3A_98] : memref<2x128x128xf32, #tpu.memory_space<vmem>> -> memref<1x128x128xf32, #tpu.memory_space<vmem>>
      %dma_wait3A_100 = tpu.memref_squeeze %dma_wait3A_99 : memref<1x128x128xf32, #tpu.memory_space<vmem>> -> memref<128x128xf32, #tpu.memory_space<vmem>>
      %dma_wait3A_101 = arith.constant 0 : i32
      %dma_wait3A_102 = tpu.memref_slice %arg11[%add3A_15, %dma_wait3A_101] : memref<10112x128xf32, #tpu.memory_space<vmem_shared>> -> memref<128x128xf32, #tpu.memory_space<vmem_shared>>
      %dma_wait3A_103 = arith.constant 0 : i32
      %dma_wait3A_104 = tpu.memref_slice %arg11[%add3A_15, %dma_wait3A_103] : memref<10112x128xf32, #tpu.memory_space<vmem_shared>> -> memref<128x128xf32, #tpu.memory_space<vmem_shared>>
      %dma_wait3A_105 = arith.constant 0 : i32
      %dma_wait3A_106 = arith.constant 0 : i32
      %dma_wait3A_107 = tpu.memref_slice %arg10[%run_scoped3A_16, %dma_wait3A_105, %dma_wait3A_106] : memref<2x128x128xf32, #tpu.memory_space<vmem>> -> memref<1x128x128xf32, #tpu.memory_space<vmem>>
      %dma_wait3A_108 = tpu.memref_squeeze %dma_wait3A_107 : memref<1x128x128xf32, #tpu.memory_space<vmem>> -> memref<128x128xf32, #tpu.memory_space<vmem>>
      tpu.wait_dma2 semaphore(%run_scoped3A_85 : memref<!tpu.dma_semaphore, #tpu.memory_space<semaphore_mem>>) src(%dma_wait3A_108 : memref<128x128xf32, #tpu.memory_space<vmem>>) dst(%dma_wait3A_104 : memref<128x128xf32, #tpu.memory_space<vmem_shared>>)
      tpu.yield
    }) : () -> ()
    %add3A_17 = arith.constant 512 : i32
    %add3A_18 = arith.addi %mul3A_0, %add3A_17 : i32
    %run_scoped3A_19 = arith.constant 0 : i32
    "tpu.region"() ({
      %run_scoped3A_85 = tpu.sem_alloc : memref<!tpu.dma_semaphore, #tpu.memory_space<semaphore_mem>>
      %dma_start3A_86 = arith.constant 0 : i32
      %dma_start3A_87 = arith.constant 0 : i32
      %dma_start3A_88 = tpu.memref_slice %arg10[%run_scoped3A_19, %dma_start3A_86, %dma_start3A_87] : memref<2x128x128xf32, #tpu.memory_space<vmem>> -> memref<1x120x128xf32, #tpu.memory_space<vmem>>
      %dma_start3A_89 = tpu.memref_squeeze %dma_start3A_88 : memref<1x120x128xf32, #tpu.memory_space<vmem>> -> memref<120x128xf32, #tpu.memory_space<vmem>>
      %dma_start3A_90 = arith.constant 0 : i32
      %dma_start3A_91 = tpu.memref_slice %arg11[%add3A_18, %dma_start3A_90] : memref<10112x128xf32, #tpu.memory_space<vmem_shared>> -> memref<120x128xf32, #tpu.memory_space<vmem_shared>>
      %dma_start3A_92 = arith.constant 0 : i32
      %dma_start3A_93 = tpu.memref_slice %arg11[%add3A_18, %dma_start3A_92] : memref<10112x128xf32, #tpu.memory_space<vmem_shared>> -> memref<120x128xf32, #tpu.memory_space<vmem_shared>>
      %dma_start3A_94 = arith.constant 0 : i32
      %dma_start3A_95 = arith.constant 0 : i32
      %dma_start3A_96 = tpu.memref_slice %arg10[%run_scoped3A_19, %dma_start3A_94, %dma_start3A_95] : memref<2x128x128xf32, #tpu.memory_space<vmem>> -> memref<1x120x128xf32, #tpu.memory_space<vmem>>
      %dma_start3A_97 = tpu.memref_squeeze %dma_start3A_96 : memref<1x120x128xf32, #tpu.memory_space<vmem>> -> memref<120x128xf32, #tpu.memory_space<vmem>>
      tpu.enqueue_dma source(%dma_start3A_97 : memref<120x128xf32, #tpu.memory_space<vmem>>) target(%dma_start3A_93 : memref<120x128xf32, #tpu.memory_space<vmem_shared>>) target_semaphore(%run_scoped3A_85 : memref<!tpu.dma_semaphore, #tpu.memory_space<semaphore_mem>>)
      %dma_wait3A = arith.constant 0 : i32
      %dma_wait3A_98 = arith.constant 0 : i32
      %dma_wait3A_99 = tpu.memref_slice %arg10[%run_scoped3A_19, %dma_wait3A, %dma_wait3A_98] : memref<2x128x128xf32, #tpu.memory_space<vmem>> -> memref<1x120x128xf32, #tpu.memory_space<vmem>>
      %dma_wait3A_100 = tpu.memref_squeeze %dma_wait3A_99 : memref<1x120x128xf32, #tpu.memory_space<vmem>> -> memref<120x128xf32, #tpu.memory_space<vmem>>
      %dma_wait3A_101 = arith.constant 0 : i32
      %dma_wait3A_102 = tpu.memref_slice %arg11[%add3A_18, %dma_wait3A_101] : memref<10112x128xf32, #tpu.memory_space<vmem_shared>> -> memref<120x128xf32, #tpu.memory_space<vmem_shared>>
      %dma_wait3A_103 = arith.constant 0 : i32
      %dma_wait3A_104 = tpu.memref_slice %arg11[%add3A_18, %dma_wait3A_103] : memref<10112x128xf32, #tpu.memory_space<vmem_shared>> -> memref<120x128xf32, #tpu.memory_space<vmem_shared>>
      %dma_wait3A_105 = arith.constant 0 : i32
      %dma_wait3A_106 = arith.constant 0 : i32
      %dma_wait3A_107 = tpu.memref_slice %arg10[%run_scoped3A_19, %dma_wait3A_105, %dma_wait3A_106] : memref<2x128x128xf32, #tpu.memory_space<vmem>> -> memref<1x120x128xf32, #tpu.memory_space<vmem>>
      %dma_wait3A_108 = tpu.memref_squeeze %dma_wait3A_107 : memref<1x120x128xf32, #tpu.memory_space<vmem>> -> memref<120x128xf32, #tpu.memory_space<vmem>>
      tpu.wait_dma2 semaphore(%run_scoped3A_85 : memref<!tpu.dma_semaphore, #tpu.memory_space<semaphore_mem>>) src(%dma_wait3A_108 : memref<120x128xf32, #tpu.memory_space<vmem>>) dst(%dma_wait3A_104 : memref<120x128xf32, #tpu.memory_space<vmem_shared>>)
      tpu.yield
    }) : () -> ()
    %barrier3A = arith.constant 0 : index
    tpu.barrier barrier_id(%barrier3A)
    %mul3A_20 = arith.constant 2 : i32
    %mul3A_21 = arith.muli %arg1, %mul3A_20 : i32
    %add3A_22 = arith.constant 0 : i32
    %add3A_23 = arith.addi %mul3A_21, %add3A_22 : i32
    %mul3A_24 = arith.constant 40 : i32
    %mul3A_25 = arith.muli %add3A_23, %mul3A_24 : i32
    %multiple_of3A = tpu.assume_multiple %mul3A_25, 8 : i32
    "tpu.region"() ({
      %run_scoped3A_85 = tpu.sem_alloc : memref<!tpu.dma_semaphore, #tpu.memory_space<semaphore_mem>>
      %dma_start3A_86 = arith.constant 0 : i32
      %dma_start3A_87 = tpu.memref_slice %arg3[%multiple_of3A, %dma_start3A_86] : memref<1280x128xi32, #tpu.memory_space<hbm>> -> memref<40x128xi32, #tpu.memory_space<hbm>>
      %dma_start3A_88 = arith.constant 0 : i32
      %dma_start3A_89 = tpu.memref_slice %arg3[%multiple_of3A, %dma_start3A_88] : memref<1280x128xi32, #tpu.memory_space<hbm>> -> memref<40x128xi32, #tpu.memory_space<hbm>>
      tpu.enqueue_dma source(%dma_start3A_89 : memref<40x128xi32, #tpu.memory_space<hbm>>) target(%arg9 : memref<40x128xi32, #tpu.memory_space<vmem>>) target_semaphore(%run_scoped3A_85 : memref<!tpu.dma_semaphore, #tpu.memory_space<semaphore_mem>>)
      %dma_wait3A = arith.constant 0 : i32
      %dma_wait3A_90 = tpu.memref_slice %arg3[%multiple_of3A, %dma_wait3A] : memref<1280x128xi32, #tpu.memory_space<hbm>> -> memref<40x128xi32, #tpu.memory_space<hbm>>
      %dma_wait3A_91 = arith.constant 0 : i32
      %dma_wait3A_92 = tpu.memref_slice %arg3[%multiple_of3A, %dma_wait3A_91] : memref<1280x128xi32, #tpu.memory_space<hbm>> -> memref<40x128xi32, #tpu.memory_space<hbm>>
      tpu.wait_dma2 semaphore(%run_scoped3A_85 : memref<!tpu.dma_semaphore, #tpu.memory_space<semaphore_mem>>) src(%dma_wait3A_92 : memref<40x128xi32, #tpu.memory_space<hbm>>) dst(%arg9 : memref<40x128xi32, #tpu.memory_space<vmem>>)
      tpu.yield
    }) : () -> ()
    "tpu.region"() ({
      %run_scoped3A_85 = tpu.sem_alloc : memref<!tpu.dma_semaphore, #tpu.memory_space<semaphore_mem>>
      %dma_start3A_86 = arith.constant 0 : i32
      %dma_start3A_87 = tpu.memref_slice %arg4[%multiple_of3A, %dma_start3A_86] : memref<1280x128xi32, #tpu.memory_space<hbm>> -> memref<40x128xi32, #tpu.memory_space<hbm>>
      %dma_start3A_88 = arith.constant 0 : i32
      %dma_start3A_89 = tpu.memref_slice %arg4[%multiple_of3A, %dma_start3A_88] : memref<1280x128xi32, #tpu.memory_space<hbm>> -> memref<40x128xi32, #tpu.memory_space<hbm>>
      tpu.enqueue_dma source(%dma_start3A_89 : memref<40x128xi32, #tpu.memory_space<hbm>>) target(%arg7 : memref<40x128xi32, #tpu.memory_space<vmem>>) target_semaphore(%run_scoped3A_85 : memref<!tpu.dma_semaphore, #tpu.memory_space<semaphore_mem>>)
      %dma_wait3A = arith.constant 0 : i32
      %dma_wait3A_90 = tpu.memref_slice %arg4[%multiple_of3A, %dma_wait3A] : memref<1280x128xi32, #tpu.memory_space<hbm>> -> memref<40x128xi32, #tpu.memory_space<hbm>>
      %dma_wait3A_91 = arith.constant 0 : i32
      %dma_wait3A_92 = tpu.memref_slice %arg4[%multiple_of3A, %dma_wait3A_91] : memref<1280x128xi32, #tpu.memory_space<hbm>> -> memref<40x128xi32, #tpu.memory_space<hbm>>
      tpu.wait_dma2 semaphore(%run_scoped3A_85 : memref<!tpu.dma_semaphore, #tpu.memory_space<semaphore_mem>>) src(%dma_wait3A_92 : memref<40x128xi32, #tpu.memory_space<hbm>>) dst(%arg7 : memref<40x128xi32, #tpu.memory_space<vmem>>)
      tpu.yield
    }) : () -> ()
    "tpu.region"() ({
      %run_scoped3A_85 = tpu.sem_alloc : memref<!tpu.dma_semaphore, #tpu.memory_space<semaphore_mem>>
      %dma_start3A_86 = arith.constant 0 : i32
      %dma_start3A_87 = tpu.memref_slice %arg5[%multiple_of3A, %dma_start3A_86] : memref<1280x128xi32, #tpu.memory_space<hbm>> -> memref<40x128xi32, #tpu.memory_space<hbm>>
      %dma_start3A_88 = arith.constant 0 : i32
      %dma_start3A_89 = tpu.memref_slice %arg5[%multiple_of3A, %dma_start3A_88] : memref<1280x128xi32, #tpu.memory_space<hbm>> -> memref<40x128xi32, #tpu.memory_space<hbm>>
      tpu.enqueue_dma source(%dma_start3A_89 : memref<40x128xi32, #tpu.memory_space<hbm>>) target(%arg8 : memref<40x128xi32, #tpu.memory_space<vmem>>) target_semaphore(%run_scoped3A_85 : memref<!tpu.dma_semaphore, #tpu.memory_space<semaphore_mem>>)
      %dma_wait3A = arith.constant 0 : i32
      %dma_wait3A_90 = tpu.memref_slice %arg5[%multiple_of3A, %dma_wait3A] : memref<1280x128xi32, #tpu.memory_space<hbm>> -> memref<40x128xi32, #tpu.memory_space<hbm>>
      %dma_wait3A_91 = arith.constant 0 : i32
      %dma_wait3A_92 = tpu.memref_slice %arg5[%multiple_of3A, %dma_wait3A_91] : memref<1280x128xi32, #tpu.memory_space<hbm>> -> memref<40x128xi32, #tpu.memory_space<hbm>>
      tpu.wait_dma2 semaphore(%run_scoped3A_85 : memref<!tpu.dma_semaphore, #tpu.memory_space<semaphore_mem>>) src(%dma_wait3A_92 : memref<40x128xi32, #tpu.memory_space<hbm>>) dst(%arg8 : memref<40x128xi32, #tpu.memory_space<vmem>>)
      tpu.yield
    }) : () -> ()
    %scan3A_26 = arith.constant 0 : i32
    %scan3A_27 = arith.constant 0 : i32
    %scan3A_28 = arith.constant 40 : i32
    %scan3A_29 = arith.addi %scan3A_27, %scan3A_28 : i32
    %scan3A_30 = arith.constant 1 : i32
    %scan3A_31 = scf.for %scan3A_85 = %scan3A_27 to %scan3A_29 step %scan3A_30 iter_args(%scan3A_86 = %scan3A_26) -> (i32)  : i32 {
      %get3A = arith.index_cast %scan3A_85 : i32 to index
      %get3A_87 = arith.constant 0 : index
      %get3A_88 = tpu.vector_load %arg7[%get3A, %get3A_87] {strides = array<i32>} : memref<40x128xi32, #tpu.memory_space<vmem>>, vector<1x16xi32>,
      %get3A_89 = vector.shape_cast %get3A_88 : vector<1x16xi32> to vector<16xi32>
      %mul3A_90 = arith.constant 10000 : i32
      %mul3A_91 = vector.broadcast %mul3A_90 : i32 to vector<16xi32>
      %mul3A_92 = arith.muli %get3A_89, %mul3A_91 : vector<16xi32>
      %get3A_93 = arith.index_cast %scan3A_85 : i32 to index
      %get3A_94 = arith.constant 0 : index
      %get3A_95 = tpu.vector_load %arg9[%get3A_93, %get3A_94] {strides = array<i32>} : memref<40x128xi32, #tpu.memory_space<vmem>>, vector<1x16xi32>,
      %get3A_96 = vector.shape_cast %get3A_95 : vector<1x16xi32> to vector<16xi32>
      %add3A_97 = arith.addi %mul3A_92, %get3A_96 : vector<16xi32>
      %swap3A = arith.index_cast %scan3A_85 : i32 to index
      %swap3A_98 = arith.constant 0 : index
      %swap3A_99 = tpu.vector_load %arg9[%swap3A, %swap3A_98] {strides = array<i32>} : memref<40x128xi32, #tpu.memory_space<vmem>>, vector<1x16xi32>,
      %swap3A_100 = vector.shape_cast %swap3A_99 : vector<1x16xi32> to vector<16xi32>
      %swap3A_101 = vector.shape_cast %add3A_97 : vector<16xi32> to vector<1x16xi32>
      tpu.vector_store %arg9[%swap3A, %swap3A_98], %swap3A_101 {strides = array<i32>} : memref<40x128xi32, #tpu.memory_space<vmem>>, vector<1x16xi32>,
      %get3A_102 = arith.index_cast %scan3A_85 : i32 to index
      %get3A_103 = arith.constant 16 : index
      %get3A_104 = tpu.vector_load %arg7[%get3A_102, %get3A_103] {strides = array<i32>} : memref<40x128xi32, #tpu.memory_space<vmem>>, vector<1x16xi32>,
      %get3A_105 = vector.shape_cast %get3A_104 : vector<1x16xi32> to vector<16xi32>
      %mul3A_106 = arith.constant 10000 : i32
      %mul3A_107 = vector.broadcast %mul3A_106 : i32 to vector<16xi32>
      %mul3A_108 = arith.muli %get3A_105, %mul3A_107 : vector<16xi32>
      %get3A_109 = arith.index_cast %scan3A_85 : i32 to index
      %get3A_110 = arith.constant 16 : index
      %get3A_111 = tpu.vector_load %arg9[%get3A_109, %get3A_110] {strides = array<i32>} : memref<40x128xi32, #tpu.memory_space<vmem>>, vector<1x16xi32>,
      %get3A_112 = vector.shape_cast %get3A_111 : vector<1x16xi32> to vector<16xi32>
      %add3A_113 = arith.addi %mul3A_108, %get3A_112 : vector<16xi32>
      %swap3A_114 = arith.index_cast %scan3A_85 : i32 to index
      %swap3A_115 = arith.constant 16 : index
      %swap3A_116 = tpu.vector_load %arg9[%swap3A_114, %swap3A_115] {strides = array<i32>} : memref<40x128xi32, #tpu.memory_space<vmem>>, vector<1x16xi32>,
      %swap3A_117 = vector.shape_cast %swap3A_116 : vector<1x16xi32> to vector<16xi32>
      %swap3A_118 = vector.shape_cast %add3A_113 : vector<16xi32> to vector<1x16xi32>
      tpu.vector_store %arg9[%swap3A_114, %swap3A_115], %swap3A_118 {strides = array<i32>} : memref<40x128xi32, #tpu.memory_space<vmem>>, vector<1x16xi32>,
      %get3A_119 = arith.index_cast %scan3A_85 : i32 to index
      %get3A_120 = arith.constant 32 : index
      %get3A_121 = tpu.vector_load %arg7[%get3A_119, %get3A_120] {strides = array<i32>} : memref<40x128xi32, #tpu.memory_space<vmem>>, vector<1x16xi32>,
      %get3A_122 = vector.shape_cast %get3A_121 : vector<1x16xi32> to vector<16xi32>
      %mul3A_123 = arith.constant 10000 : i32
      %mul3A_124 = vector.broadcast %mul3A_123 : i32 to vector<16xi32>
      %mul3A_125 = arith.muli %get3A_122, %mul3A_124 : vector<16xi32>
      %get3A_126 = arith.index_cast %scan3A_85 : i32 to index
      %get3A_127 = arith.constant 32 : index
      %get3A_128 = tpu.vector_load %arg9[%get3A_126, %get3A_127] {strides = array<i32>} : memref<40x128xi32, #tpu.memory_space<vmem>>, vector<1x16xi32>,
      %get3A_129 = vector.shape_cast %get3A_128 : vector<1x16xi32> to vector<16xi32>
      %add3A_130 = arith.addi %mul3A_125, %get3A_129 : vector<16xi32>
      %swap3A_131 = arith.index_cast %scan3A_85 : i32 to index
      %swap3A_132 = arith.constant 32 : index
      %swap3A_133 = tpu.vector_load %arg9[%swap3A_131, %swap3A_132] {strides = array<i32>} : memref<40x128xi32, #tpu.memory_space<vmem>>, vector<1x16xi32>,
      %swap3A_134 = vector.shape_cast %swap3A_133 : vector<1x16xi32> to vector<16xi32>
      %swap3A_135 = vector.shape_cast %add3A_130 : vector<16xi32> to vector<1x16xi32>
      tpu.vector_store %arg9[%swap3A_131, %swap3A_132], %swap3A_135 {strides = array<i32>} : memref<40x128xi32, #tpu.memory_space<vmem>>, vector<1x16xi32>,
      %get3A_136 = arith.index_cast %scan3A_85 : i32 to index
      %get3A_137 = arith.constant 48 : index
      %get3A_138 = tpu.vector_load %arg7[%get3A_136, %get3A_137] {strides = array<i32>} : memref<40x128xi32, #tpu.memory_space<vmem>>, vector<1x16xi32>,
      %get3A_139 = vector.shape_cast %get3A_138 : vector<1x16xi32> to vector<16xi32>
      %mul3A_140 = arith.constant 10000 : i32
      %mul3A_141 = vector.broadcast %mul3A_140 : i32 to vector<16xi32>
      %mul3A_142 = arith.muli %get3A_139, %mul3A_141 : vector<16xi32>
      %get3A_143 = arith.index_cast %scan3A_85 : i32 to index
      %get3A_144 = arith.constant 48 : index
      %get3A_145 = tpu.vector_load %arg9[%get3A_143, %get3A_144] {strides = array<i32>} : memref<40x128xi32, #tpu.memory_space<vmem>>, vector<1x16xi32>,
      %get3A_146 = vector.shape_cast %get3A_145 : vector<1x16xi32> to vector<16xi32>
      %add3A_147 = arith.addi %mul3A_142, %get3A_146 : vector<16xi32>
      %swap3A_148 = arith.index_cast %scan3A_85 : i32 to index
      %swap3A_149 = arith.constant 48 : index
      %swap3A_150 = tpu.vector_load %arg9[%swap3A_148, %swap3A_149] {strides = array<i32>} : memref<40x128xi32, #tpu.memory_space<vmem>>, vector<1x16xi32>,
      %swap3A_151 = vector.shape_cast %swap3A_150 : vector<1x16xi32> to vector<16xi32>
      %swap3A_152 = vector.shape_cast %add3A_147 : vector<16xi32> to vector<1x16xi32>
      tpu.vector_store %arg9[%swap3A_148, %swap3A_149], %swap3A_152 {strides = array<i32>} : memref<40x128xi32, #tpu.memory_space<vmem>>, vector<1x16xi32>,
      %get3A_153 = arith.index_cast %scan3A_85 : i32 to index
      %get3A_154 = arith.constant 64 : index
      %get3A_155 = tpu.vector_load %arg7[%get3A_153, %get3A_154] {strides = array<i32>} : memref<40x128xi32, #tpu.memory_space<vmem>>, vector<1x16xi32>,
      %get3A_156 = vector.shape_cast %get3A_155 : vector<1x16xi32> to vector<16xi32>
      %mul3A_157 = arith.constant 10000 : i32
      %mul3A_158 = vector.broadcast %mul3A_157 : i32 to vector<16xi32>
      %mul3A_159 = arith.muli %get3A_156, %mul3A_158 : vector<16xi32>
      %get3A_160 = arith.index_cast %scan3A_85 : i32 to index
      %get3A_161 = arith.constant 64 : index
      %get3A_162 = tpu.vector_load %arg9[%get3A_160, %get3A_161] {strides = array<i32>} : memref<40x128xi32, #tpu.memory_space<vmem>>, vector<1x16xi32>,
      %get3A_163 = vector.shape_cast %get3A_162 : vector<1x16xi32> to vector<16xi32>
      %add3A_164 = arith.addi %mul3A_159, %get3A_163 : vector<16xi32>
      %swap3A_165 = arith.index_cast %scan3A_85 : i32 to index
      %swap3A_166 = arith.constant 64 : index
      %swap3A_167 = tpu.vector_load %arg9[%swap3A_165, %swap3A_166] {strides = array<i32>} : memref<40x128xi32, #tpu.memory_space<vmem>>, vector<1x16xi32>,
      %swap3A_168 = vector.shape_cast %swap3A_167 : vector<1x16xi32> to vector<16xi32>
      %swap3A_169 = vector.shape_cast %add3A_164 : vector<16xi32> to vector<1x16xi32>
      tpu.vector_store %arg9[%swap3A_165, %swap3A_166], %swap3A_169 {strides = array<i32>} : memref<40x128xi32, #tpu.memory_space<vmem>>, vector<1x16xi32>,
      %get3A_170 = arith.index_cast %scan3A_85 : i32 to index
      %get3A_171 = arith.constant 80 : index
      %get3A_172 = tpu.vector_load %arg7[%get3A_170, %get3A_171] {strides = array<i32>} : memref<40x128xi32, #tpu.memory_space<vmem>>, vector<1x16xi32>,
      %get3A_173 = vector.shape_cast %get3A_172 : vector<1x16xi32> to vector<16xi32>
      %mul3A_174 = arith.constant 10000 : i32
      %mul3A_175 = vector.broadcast %mul3A_174 : i32 to vector<16xi32>
      %mul3A_176 = arith.muli %get3A_173, %mul3A_175 : vector<16xi32>
      %get3A_177 = arith.index_cast %scan3A_85 : i32 to index
      %get3A_178 = arith.constant 80 : index
      %get3A_179 = tpu.vector_load %arg9[%get3A_177, %get3A_178] {strides = array<i32>} : memref<40x128xi32, #tpu.memory_space<vmem>>, vector<1x16xi32>,
      %get3A_180 = vector.shape_cast %get3A_179 : vector<1x16xi32> to vector<16xi32>
      %add3A_181 = arith.addi %mul3A_176, %get3A_180 : vector<16xi32>
      %swap3A_182 = arith.index_cast %scan3A_85 : i32 to index
      %swap3A_183 = arith.constant 80 : index
      %swap3A_184 = tpu.vector_load %arg9[%swap3A_182, %swap3A_183] {strides = array<i32>} : memref<40x128xi32, #tpu.memory_space<vmem>>, vector<1x16xi32>,
      %swap3A_185 = vector.shape_cast %swap3A_184 : vector<1x16xi32> to vector<16xi32>
      %swap3A_186 = vector.shape_cast %add3A_181 : vector<16xi32> to vector<1x16xi32>
      tpu.vector_store %arg9[%swap3A_182, %swap3A_183], %swap3A_186 {strides = array<i32>} : memref<40x128xi32, #tpu.memory_space<vmem>>, vector<1x16xi32>,
      %get3A_187 = arith.index_cast %scan3A_85 : i32 to index
      %get3A_188 = arith.constant 96 : index
      %get3A_189 = tpu.vector_load %arg7[%get3A_187, %get3A_188] {strides = array<i32>} : memref<40x128xi32, #tpu.memory_space<vmem>>, vector<1x16xi32>,
      %get3A_190 = vector.shape_cast %get3A_189 : vector<1x16xi32> to vector<16xi32>
      %mul3A_191 = arith.constant 10000 : i32
      %mul3A_192 = vector.broadcast %mul3A_191 : i32 to vector<16xi32>
      %mul3A_193 = arith.muli %get3A_190, %mul3A_192 : vector<16xi32>
      %get3A_194 = arith.index_cast %scan3A_85 : i32 to index
      %get3A_195 = arith.constant 96 : index
      %get3A_196 = tpu.vector_load %arg9[%get3A_194, %get3A_195] {strides = array<i32>} : memref<40x128xi32, #tpu.memory_space<vmem>>, vector<1x16xi32>,
      %get3A_197 = vector.shape_cast %get3A_196 : vector<1x16xi32> to vector<16xi32>
      %add3A_198 = arith.addi %mul3A_193, %get3A_197 : vector<16xi32>
      %swap3A_199 = arith.index_cast %scan3A_85 : i32 to index
      %swap3A_200 = arith.constant 96 : index
      %swap3A_201 = tpu.vector_load %arg9[%swap3A_199, %swap3A_200] {strides = array<i32>} : memref<40x128xi32, #tpu.memory_space<vmem>>, vector<1x16xi32>,
      %swap3A_202 = vector.shape_cast %swap3A_201 : vector<1x16xi32> to vector<16xi32>
      %swap3A_203 = vector.shape_cast %add3A_198 : vector<16xi32> to vector<1x16xi32>
      tpu.vector_store %arg9[%swap3A_199, %swap3A_200], %swap3A_203 {strides = array<i32>} : memref<40x128xi32, #tpu.memory_space<vmem>>, vector<1x16xi32>,
      %get3A_204 = arith.index_cast %scan3A_85 : i32 to index
      %get3A_205 = arith.constant 112 : index
      %get3A_206 = tpu.vector_load %arg7[%get3A_204, %get3A_205] {strides = array<i32>} : memref<40x128xi32, #tpu.memory_space<vmem>>, vector<1x16xi32>,
      %get3A_207 = vector.shape_cast %get3A_206 : vector<1x16xi32> to vector<16xi32>
      %mul3A_208 = arith.constant 10000 : i32
      %mul3A_209 = vector.broadcast %mul3A_208 : i32 to vector<16xi32>
      %mul3A_210 = arith.muli %get3A_207, %mul3A_209 : vector<16xi32>
      %get3A_211 = arith.index_cast %scan3A_85 : i32 to index
      %get3A_212 = arith.constant 112 : index
      %get3A_213 = tpu.vector_load %arg9[%get3A_211, %get3A_212] {strides = array<i32>} : memref<40x128xi32, #tpu.memory_space<vmem>>, vector<1x16xi32>,
      %get3A_214 = vector.shape_cast %get3A_213 : vector<1x16xi32> to vector<16xi32>
      %add3A_215 = arith.addi %mul3A_210, %get3A_214 : vector<16xi32>
      %swap3A_216 = arith.index_cast %scan3A_85 : i32 to index
      %swap3A_217 = arith.constant 112 : index
      %swap3A_218 = tpu.vector_load %arg9[%swap3A_216, %swap3A_217] {strides = array<i32>} : memref<40x128xi32, #tpu.memory_space<vmem>>, vector<1x16xi32>,
      %swap3A_219 = vector.shape_cast %swap3A_218 : vector<1x16xi32> to vector<16xi32>
      %swap3A_220 = vector.shape_cast %add3A_215 : vector<16xi32> to vector<1x16xi32>
      tpu.vector_store %arg9[%swap3A_216, %swap3A_217], %swap3A_220 {strides = array<i32>} : memref<40x128xi32, #tpu.memory_space<vmem>>, vector<1x16xi32>,
      %scan3A_221 = arith.constant 0 : i32
      scf.yield %scan3A_221 : i32
    }
    %scan3A_32 = arith.constant 40 : i32
    %dma_start3A = arith.constant 0 : i32
    %dma_start3A_33 = arith.constant 0 : i32
    %dma_start3A_34 = arith.constant 0 : i32
    %dma_start3A_35 = arith.constant 0 : i32
    %dma_start3A_36 = tpu.memref_slice %arg10[%dma_start3A_33, %dma_start3A_34, %dma_start3A_35] : memref<2x128x128xf32, #tpu.memory_space<vmem>> -> memref<1x128x128xf32, #tpu.memory_space<vmem>>
    %dma_start3A_37 = tpu.memref_squeeze %dma_start3A_36 : memref<1x128x128xf32, #tpu.memory_space<vmem>> -> memref<128x128xf32, #tpu.memory_space<vmem>>
    %dma_start3A_38 = arith.constant 0 : i32
    %dma_start3A_39 = tpu.memref_slice %arg9[%dma_start3A, %dma_start3A_38] : memref<40x128xi32, #tpu.memory_space<vmem>> -> memref<1x128xi32, #tpu.memory_space<vmem>>
    %dma_start3A_40 = tpu.memref_squeeze %dma_start3A_39 : memref<1x128xi32, #tpu.memory_space<vmem>> -> memref<128xi32, #tpu.memory_space<vmem>>
    %dma_start3A_41 = arith.constant 0 : i32
    %dma_start3A_42 = arith.constant 0 : i32
    %dma_start3A_43 = tpu.memref_slice %arg2[%dma_start3A_41, %dma_start3A_42] : memref<80000x128xf32, #tpu.memory_space<hbm>> -> memref<80000x128xf32, #tpu.memory_space<hbm>>
    tpu.enqueue_indirect_dma source(%dma_start3A_43 : memref<80000x128xf32, #tpu.memory_space<hbm>>) target(%dma_start3A_37 : memref<128x128xf32, #tpu.memory_space<vmem>>) offsets(%dma_start3A_40 : memref<128xi32, #tpu.memory_space<vmem>>) semaphore(%arg12 : memref<!tpu.dma_semaphore, #tpu.memory_space<semaphore_mem>>)
    %scan3A_44 = arith.constant 0 : i32
    %scan3A_45 = arith.constant 0 : i32
    %scan3A_46 = arith.constant 40 : i32
    %scan3A_47 = arith.addi %scan3A_45, %scan3A_46 : i32
    %scan3A_48 = arith.constant 1 : i32
    %scan3A_49 = scf.for %scan3A_85 = %scan3A_45 to %scan3A_47 step %scan3A_48 iter_args(%scan3A_86 = %scan3A_44) -> (i32)  : i32 {
      %rem3A = arith.constant 2 : i32
      %rem3A_87 = arith.remsi %scan3A_85, %rem3A : i32
      %add3A_88 = arith.constant 1 : i32
      %add3A_89 = arith.addi %scan3A_85, %add3A_88 : i32
      %lt3A = arith.constant 40 : i32
      %lt3A_90 = arith.cmpi slt, %add3A_89, %lt3A : i32
      %convert_element_type3A = arith.extui %lt3A_90 : i1 to i32
      %cond3A = arith.constant 0 : i32
      %cond3A_91 = arith.cmpi ne, %convert_element_type3A, %cond3A : i32
      scf.if %cond3A_91 {
        %add3A_102 = arith.constant 1 : i32
        %add3A_103 = arith.addi %scan3A_85, %add3A_102 : i32
        %sub3A = arith.constant 1 : i32
        %sub3A_104 = arith.subi %sub3A, %rem3A_87 : i32
        %dma_start3A_105 = arith.constant 0 : i32
        %dma_start3A_106 = arith.constant 0 : i32
        %dma_start3A_107 = tpu.memref_slice %arg10[%sub3A_104, %dma_start3A_105, %dma_start3A_106] : memref<2x128x128xf32, #tpu.memory_space<vmem>> -> memref<1x128x128xf32, #tpu.memory_space<vmem>>
        %dma_start3A_108 = tpu.memref_squeeze %dma_start3A_107 : memref<1x128x128xf32, #tpu.memory_space<vmem>> -> memref<128x128xf32, #tpu.memory_space<vmem>>
        %dma_start3A_109 = arith.constant 0 : i32
        %dma_start3A_110 = tpu.memref_slice %arg9[%add3A_103, %dma_start3A_109] : memref<40x128xi32, #tpu.memory_space<vmem>> -> memref<1x128xi32, #tpu.memory_space<vmem>>
        %dma_start3A_111 = tpu.memref_squeeze %dma_start3A_110 : memref<1x128xi32, #tpu.memory_space<vmem>> -> memref<128xi32, #tpu.memory_space<vmem>>
        %dma_start3A_112 = arith.constant 0 : i32
        %dma_start3A_113 = arith.constant 0 : i32
        %dma_start3A_114 = tpu.memref_slice %arg2[%dma_start3A_112, %dma_start3A_113] : memref<80000x128xf32, #tpu.memory_space<hbm>> -> memref<80000x128xf32, #tpu.memory_space<hbm>>
        tpu.enqueue_indirect_dma source(%dma_start3A_114 : memref<80000x128xf32, #tpu.memory_space<hbm>>) target(%dma_start3A_108 : memref<128x128xf32, #tpu.memory_space<vmem>>) offsets(%dma_start3A_111 : memref<128xi32, #tpu.memory_space<vmem>>) semaphore(%arg12 : memref<!tpu.dma_semaphore, #tpu.memory_space<semaphore_mem>>)
      } else {
      }
      %dma_wait3A = arith.constant 0 : i32
      %dma_wait3A_92 = arith.constant 0 : i32
      %dma_wait3A_93 = tpu.memref_slice %arg10[%rem3A_87, %dma_wait3A, %dma_wait3A_92] : memref<2x128x128xf32, #tpu.memory_space<vmem>> -> memref<1x128x128xf32, #tpu.memory_space<vmem>>
      %dma_wait3A_94 = tpu.memref_squeeze %dma_wait3A_93 : memref<1x128x128xf32, #tpu.memory_space<vmem>> -> memref<128x128xf32, #tpu.memory_space<vmem>>
      %dma_wait3A_95 = arith.constant 0 : i32
      %dma_wait3A_96 = tpu.memref_slice %arg9[%scan3A_85, %dma_wait3A_95] : memref<40x128xi32, #tpu.memory_space<vmem>> -> memref<1x128xi32, #tpu.memory_space<vmem>>
      %dma_wait3A_97 = tpu.memref_squeeze %dma_wait3A_96 : memref<1x128xi32, #tpu.memory_space<vmem>> -> memref<128xi32, #tpu.memory_space<vmem>>
      %dma_wait3A_98 = arith.constant 0 : i32
      %dma_wait3A_99 = arith.constant 0 : i32
      %dma_wait3A_100 = tpu.memref_slice %arg2[%dma_wait3A_98, %dma_wait3A_99] : memref<80000x128xf32, #tpu.memory_space<hbm>> -> memref<80000x128xf32, #tpu.memory_space<hbm>>
      tpu.wait_indirect_dma semaphore(%arg12 : memref<!tpu.dma_semaphore, #tpu.memory_space<semaphore_mem>>) src(%dma_wait3A_100 : memref<80000x128xf32, #tpu.memory_space<hbm>>) dst(%dma_wait3A_94 : memref<128x128xf32, #tpu.memory_space<vmem>>)
      "tpu.region"() ({
        %run_scoped3A_102 = tpu.sem_alloc : memref<!tpu.dma_semaphore, #tpu.memory_space<semaphore_mem>>
        %dma_start3A_103 = arith.constant 0 : i32
        %dma_start3A_104 = arith.constant 0 : i32
        %dma_start3A_105 = tpu.memref_slice %arg10[%rem3A_87, %dma_start3A_103, %dma_start3A_104] : memref<2x128x128xf32, #tpu.memory_space<vmem>> -> memref<1x128x128xf32, #tpu.memory_space<vmem>>
        %dma_start3A_106 = tpu.memref_squeeze %dma_start3A_105 : memref<1x128x128xf32, #tpu.memory_space<vmem>> -> memref<128x128xf32, #tpu.memory_space<vmem>>
        %dma_start3A_107 = arith.constant 0 : i32
        %dma_start3A_108 = tpu.memref_slice %arg8[%scan3A_85, %dma_start3A_107] : memref<40x128xi32, #tpu.memory_space<vmem>> -> memref<1x128xi32, #tpu.memory_space<vmem>>
        %dma_start3A_109 = tpu.memref_squeeze %dma_start3A_108 : memref<1x128xi32, #tpu.memory_space<vmem>> -> memref<128xi32, #tpu.memory_space<vmem>>
        %dma_start3A_110 = arith.constant 0 : i32
        %dma_start3A_111 = arith.constant 0 : i32
        %dma_start3A_112 = tpu.memref_slice %arg11[%dma_start3A_110, %dma_start3A_111] : memref<10112x128xf32, #tpu.memory_space<vmem_shared>> -> memref<10112x128xf32, #tpu.memory_space<vmem_shared>>
        tpu.enqueue_indirect_dma source(%dma_start3A_106 : memref<128x128xf32, #tpu.memory_space<vmem>>) target(%dma_start3A_112 : memref<10112x128xf32, #tpu.memory_space<vmem_shared>>) offsets(%dma_start3A_109 : memref<128xi32, #tpu.memory_space<vmem>>) semaphore(%run_scoped3A_102 : memref<!tpu.dma_semaphore, #tpu.memory_space<semaphore_mem>>) {add = true}
        %dma_wait3A_113 = arith.constant 0 : i32
        %dma_wait3A_114 = arith.constant 0 : i32
        %dma_wait3A_115 = tpu.memref_slice %arg10[%rem3A_87, %dma_wait3A_113, %dma_wait3A_114] : memref<2x128x128xf32, #tpu.memory_space<vmem>> -> memref<1x128x128xf32, #tpu.memory_space<vmem>>
        %dma_wait3A_116 = tpu.memref_squeeze %dma_wait3A_115 : memref<1x128x128xf32, #tpu.memory_space<vmem>> -> memref<128x128xf32, #tpu.memory_space<vmem>>
        %dma_wait3A_117 = arith.constant 0 : i32
        %dma_wait3A_118 = tpu.memref_slice %arg8[%scan3A_85, %dma_wait3A_117] : memref<40x128xi32, #tpu.memory_space<vmem>> -> memref<1x128xi32, #tpu.memory_space<vmem>>
        %dma_wait3A_119 = tpu.memref_squeeze %dma_wait3A_118 : memref<1x128xi32, #tpu.memory_space<vmem>> -> memref<128xi32, #tpu.memory_space<vmem>>
        %dma_wait3A_120 = arith.constant 0 : i32
        %dma_wait3A_121 = arith.constant 0 : i32
        %dma_wait3A_122 = tpu.memref_slice %arg11[%dma_wait3A_120, %dma_wait3A_121] : memref<10112x128xf32, #tpu.memory_space<vmem_shared>> -> memref<10112x128xf32, #tpu.memory_space<vmem_shared>>
        tpu.wait_indirect_dma semaphore(%run_scoped3A_102 : memref<!tpu.dma_semaphore, #tpu.memory_space<semaphore_mem>>) src(%dma_wait3A_116 : memref<128x128xf32, #tpu.memory_space<vmem>>) dst(%dma_wait3A_122 : memref<10112x128xf32, #tpu.memory_space<vmem_shared>>)
        tpu.yield
      }) : () -> ()
      %scan3A_101 = arith.constant 0 : i32
      scf.yield %scan3A_101 : i32
    }
    %scan3A_50 = arith.constant 40 : i32
    %mul3A_51 = arith.constant 2 : i32
    %mul3A_52 = arith.muli %arg1, %mul3A_51 : i32
    %add3A_53 = arith.constant 1 : i32
    %add3A_54 = arith.addi %mul3A_52, %add3A_53 : i32
    %mul3A_55 = arith.constant 40 : i32
    %mul3A_56 = arith.muli %add3A_54, %mul3A_55 : i32
    %multiple_of3A_57 = tpu.assume_multiple %mul3A_56, 8 : i32
    "tpu.region"() ({
      %run_scoped3A_85 = tpu.sem_alloc : memref<!tpu.dma_semaphore, #tpu.memory_space<semaphore_mem>>
      %dma_start3A_86 = arith.constant 0 : i32
      %dma_start3A_87 = tpu.memref_slice %arg3[%multiple_of3A_57, %dma_start3A_86] : memref<1280x128xi32, #tpu.memory_space<hbm>> -> memref<40x128xi32, #tpu.memory_space<hbm>>
      %dma_start3A_88 = arith.constant 0 : i32
      %dma_start3A_89 = tpu.memref_slice %arg3[%multiple_of3A_57, %dma_start3A_88] : memref<1280x128xi32, #tpu.memory_space<hbm>> -> memref<40x128xi32, #tpu.memory_space<hbm>>
      tpu.enqueue_dma source(%dma_start3A_89 : memref<40x128xi32, #tpu.memory_space<hbm>>) target(%arg9 : memref<40x128xi32, #tpu.memory_space<vmem>>) target_semaphore(%run_scoped3A_85 : memref<!tpu.dma_semaphore, #tpu.memory_space<semaphore_mem>>)
      %dma_wait3A = arith.constant 0 : i32
      %dma_wait3A_90 = tpu.memref_slice %arg3[%multiple_of3A_57, %dma_wait3A] : memref<1280x128xi32, #tpu.memory_space<hbm>> -> memref<40x128xi32, #tpu.memory_space<hbm>>
      %dma_wait3A_91 = arith.constant 0 : i32
      %dma_wait3A_92 = tpu.memref_slice %arg3[%multiple_of3A_57, %dma_wait3A_91] : memref<1280x128xi32, #tpu.memory_space<hbm>> -> memref<40x128xi32, #tpu.memory_space<hbm>>
      tpu.wait_dma2 semaphore(%run_scoped3A_85 : memref<!tpu.dma_semaphore, #tpu.memory_space<semaphore_mem>>) src(%dma_wait3A_92 : memref<40x128xi32, #tpu.memory_space<hbm>>) dst(%arg9 : memref<40x128xi32, #tpu.memory_space<vmem>>)
      tpu.yield
    }) : () -> ()
    "tpu.region"() ({
      %run_scoped3A_85 = tpu.sem_alloc : memref<!tpu.dma_semaphore, #tpu.memory_space<semaphore_mem>>
      %dma_start3A_86 = arith.constant 0 : i32
      %dma_start3A_87 = tpu.memref_slice %arg4[%multiple_of3A_57, %dma_start3A_86] : memref<1280x128xi32, #tpu.memory_space<hbm>> -> memref<40x128xi32, #tpu.memory_space<hbm>>
      %dma_start3A_88 = arith.constant 0 : i32
      %dma_start3A_89 = tpu.memref_slice %arg4[%multiple_of3A_57, %dma_start3A_88] : memref<1280x128xi32, #tpu.memory_space<hbm>> -> memref<40x128xi32, #tpu.memory_space<hbm>>
      tpu.enqueue_dma source(%dma_start3A_89 : memref<40x128xi32, #tpu.memory_space<hbm>>) target(%arg7 : memref<40x128xi32, #tpu.memory_space<vmem>>) target_semaphore(%run_scoped3A_85 : memref<!tpu.dma_semaphore, #tpu.memory_space<semaphore_mem>>)
      %dma_wait3A = arith.constant 0 : i32
      %dma_wait3A_90 = tpu.memref_slice %arg4[%multiple_of3A_57, %dma_wait3A] : memref<1280x128xi32, #tpu.memory_space<hbm>> -> memref<40x128xi32, #tpu.memory_space<hbm>>
      %dma_wait3A_91 = arith.constant 0 : i32
      %dma_wait3A_92 = tpu.memref_slice %arg4[%multiple_of3A_57, %dma_wait3A_91] : memref<1280x128xi32, #tpu.memory_space<hbm>> -> memref<40x128xi32, #tpu.memory_space<hbm>>
      tpu.wait_dma2 semaphore(%run_scoped3A_85 : memref<!tpu.dma_semaphore, #tpu.memory_space<semaphore_mem>>) src(%dma_wait3A_92 : memref<40x128xi32, #tpu.memory_space<hbm>>) dst(%arg7 : memref<40x128xi32, #tpu.memory_space<vmem>>)
      tpu.yield
    }) : () -> ()
    "tpu.region"() ({
      %run_scoped3A_85 = tpu.sem_alloc : memref<!tpu.dma_semaphore, #tpu.memory_space<semaphore_mem>>
      %dma_start3A_86 = arith.constant 0 : i32
      %dma_start3A_87 = tpu.memref_slice %arg5[%multiple_of3A_57, %dma_start3A_86] : memref<1280x128xi32, #tpu.memory_space<hbm>> -> memref<40x128xi32, #tpu.memory_space<hbm>>
      %dma_start3A_88 = arith.constant 0 : i32
      %dma_start3A_89 = tpu.memref_slice %arg5[%multiple_of3A_57, %dma_start3A_88] : memref<1280x128xi32, #tpu.memory_space<hbm>> -> memref<40x128xi32, #tpu.memory_space<hbm>>
      tpu.enqueue_dma source(%dma_start3A_89 : memref<40x128xi32, #tpu.memory_space<hbm>>) target(%arg8 : memref<40x128xi32, #tpu.memory_space<vmem>>) target_semaphore(%run_scoped3A_85 : memref<!tpu.dma_semaphore, #tpu.memory_space<semaphore_mem>>)
      %dma_wait3A = arith.constant 0 : i32
      %dma_wait3A_90 = tpu.memref_slice %arg5[%multiple_of3A_57, %dma_wait3A] : memref<1280x128xi32, #tpu.memory_space<hbm>> -> memref<40x128xi32, #tpu.memory_space<hbm>>
      %dma_wait3A_91 = arith.constant 0 : i32
      %dma_wait3A_92 = tpu.memref_slice %arg5[%multiple_of3A_57, %dma_wait3A_91] : memref<1280x128xi32, #tpu.memory_space<hbm>> -> memref<40x128xi32, #tpu.memory_space<hbm>>
      tpu.wait_dma2 semaphore(%run_scoped3A_85 : memref<!tpu.dma_semaphore, #tpu.memory_space<semaphore_mem>>) src(%dma_wait3A_92 : memref<40x128xi32, #tpu.memory_space<hbm>>) dst(%arg8 : memref<40x128xi32, #tpu.memory_space<vmem>>)
      tpu.yield
    }) : () -> ()
    %scan3A_58 = arith.constant 0 : i32
    %scan3A_59 = arith.constant 0 : i32
    %scan3A_60 = arith.constant 40 : i32
    %scan3A_61 = arith.addi %scan3A_59, %scan3A_60 : i32
    %scan3A_62 = arith.constant 1 : i32
    %scan3A_63 = scf.for %scan3A_85 = %scan3A_59 to %scan3A_61 step %scan3A_62 iter_args(%scan3A_86 = %scan3A_58) -> (i32)  : i32 {
      %get3A = arith.index_cast %scan3A_85 : i32 to index
      %get3A_87 = arith.constant 0 : index
      %get3A_88 = tpu.vector_load %arg7[%get3A, %get3A_87] {strides = array<i32>} : memref<40x128xi32, #tpu.memory_space<vmem>>, vector<1x16xi32>,
      %get3A_89 = vector.shape_cast %get3A_88 : vector<1x16xi32> to vector<16xi32>
      %mul3A_90 = arith.constant 10000 : i32
      %mul3A_91 = vector.broadcast %mul3A_90 : i32 to vector<16xi32>
      %mul3A_92 = arith.muli %get3A_89, %mul3A_91 : vector<16xi32>
      %get3A_93 = arith.index_cast %scan3A_85 : i32 to index
      %get3A_94 = arith.constant 0 : index
      %get3A_95 = tpu.vector_load %arg9[%get3A_93, %get3A_94] {strides = array<i32>} : memref<40x128xi32, #tpu.memory_space<vmem>>, vector<1x16xi32>,
      %get3A_96 = vector.shape_cast %get3A_95 : vector<1x16xi32> to vector<16xi32>
      %add3A_97 = arith.addi %mul3A_92, %get3A_96 : vector<16xi32>
      %swap3A = arith.index_cast %scan3A_85 : i32 to index
      %swap3A_98 = arith.constant 0 : index
      %swap3A_99 = tpu.vector_load %arg9[%swap3A, %swap3A_98] {strides = array<i32>} : memref<40x128xi32, #tpu.memory_space<vmem>>, vector<1x16xi32>,
      %swap3A_100 = vector.shape_cast %swap3A_99 : vector<1x16xi32> to vector<16xi32>
      %swap3A_101 = vector.shape_cast %add3A_97 : vector<16xi32> to vector<1x16xi32>
      tpu.vector_store %arg9[%swap3A, %swap3A_98], %swap3A_101 {strides = array<i32>} : memref<40x128xi32, #tpu.memory_space<vmem>>, vector<1x16xi32>,
      %get3A_102 = arith.index_cast %scan3A_85 : i32 to index
      %get3A_103 = arith.constant 16 : index
      %get3A_104 = tpu.vector_load %arg7[%get3A_102, %get3A_103] {strides = array<i32>} : memref<40x128xi32, #tpu.memory_space<vmem>>, vector<1x16xi32>,
      %get3A_105 = vector.shape_cast %get3A_104 : vector<1x16xi32> to vector<16xi32>
      %mul3A_106 = arith.constant 10000 : i32
      %mul3A_107 = vector.broadcast %mul3A_106 : i32 to vector<16xi32>
      %mul3A_108 = arith.muli %get3A_105, %mul3A_107 : vector<16xi32>
      %get3A_109 = arith.index_cast %scan3A_85 : i32 to index
      %get3A_110 = arith.constant 16 : index
      %get3A_111 = tpu.vector_load %arg9[%get3A_109, %get3A_110] {strides = array<i32>} : memref<40x128xi32, #tpu.memory_space<vmem>>, vector<1x16xi32>,
      %get3A_112 = vector.shape_cast %get3A_111 : vector<1x16xi32> to vector<16xi32>
      %add3A_113 = arith.addi %mul3A_108, %get3A_112 : vector<16xi32>
      %swap3A_114 = arith.index_cast %scan3A_85 : i32 to index
      %swap3A_115 = arith.constant 16 : index
      %swap3A_116 = tpu.vector_load %arg9[%swap3A_114, %swap3A_115] {strides = array<i32>} : memref<40x128xi32, #tpu.memory_space<vmem>>, vector<1x16xi32>,
      %swap3A_117 = vector.shape_cast %swap3A_116 : vector<1x16xi32> to vector<16xi32>
      %swap3A_118 = vector.shape_cast %add3A_113 : vector<16xi32> to vector<1x16xi32>
      tpu.vector_store %arg9[%swap3A_114, %swap3A_115], %swap3A_118 {strides = array<i32>} : memref<40x128xi32, #tpu.memory_space<vmem>>, vector<1x16xi32>,
      %get3A_119 = arith.index_cast %scan3A_85 : i32 to index
      %get3A_120 = arith.constant 32 : index
      %get3A_121 = tpu.vector_load %arg7[%get3A_119, %get3A_120] {strides = array<i32>} : memref<40x128xi32, #tpu.memory_space<vmem>>, vector<1x16xi32>,
      %get3A_122 = vector.shape_cast %get3A_121 : vector<1x16xi32> to vector<16xi32>
      %mul3A_123 = arith.constant 10000 : i32
      %mul3A_124 = vector.broadcast %mul3A_123 : i32 to vector<16xi32>
      %mul3A_125 = arith.muli %get3A_122, %mul3A_124 : vector<16xi32>
      %get3A_126 = arith.index_cast %scan3A_85 : i32 to index
      %get3A_127 = arith.constant 32 : index
      %get3A_128 = tpu.vector_load %arg9[%get3A_126, %get3A_127] {strides = array<i32>} : memref<40x128xi32, #tpu.memory_space<vmem>>, vector<1x16xi32>,
      %get3A_129 = vector.shape_cast %get3A_128 : vector<1x16xi32> to vector<16xi32>
      %add3A_130 = arith.addi %mul3A_125, %get3A_129 : vector<16xi32>
      %swap3A_131 = arith.index_cast %scan3A_85 : i32 to index
      %swap3A_132 = arith.constant 32 : index
      %swap3A_133 = tpu.vector_load %arg9[%swap3A_131, %swap3A_132] {strides = array<i32>} : memref<40x128xi32, #tpu.memory_space<vmem>>, vector<1x16xi32>,
      %swap3A_134 = vector.shape_cast %swap3A_133 : vector<1x16xi32> to vector<16xi32>
      %swap3A_135 = vector.shape_cast %add3A_130 : vector<16xi32> to vector<1x16xi32>
      tpu.vector_store %arg9[%swap3A_131, %swap3A_132], %swap3A_135 {strides = array<i32>} : memref<40x128xi32, #tpu.memory_space<vmem>>, vector<1x16xi32>,
      %get3A_136 = arith.index_cast %scan3A_85 : i32 to index
      %get3A_137 = arith.constant 48 : index
      %get3A_138 = tpu.vector_load %arg7[%get3A_136, %get3A_137] {strides = array<i32>} : memref<40x128xi32, #tpu.memory_space<vmem>>, vector<1x16xi32>,
      %get3A_139 = vector.shape_cast %get3A_138 : vector<1x16xi32> to vector<16xi32>
      %mul3A_140 = arith.constant 10000 : i32
      %mul3A_141 = vector.broadcast %mul3A_140 : i32 to vector<16xi32>
      %mul3A_142 = arith.muli %get3A_139, %mul3A_141 : vector<16xi32>
      %get3A_143 = arith.index_cast %scan3A_85 : i32 to index
      %get3A_144 = arith.constant 48 : index
      %get3A_145 = tpu.vector_load %arg9[%get3A_143, %get3A_144] {strides = array<i32>} : memref<40x128xi32, #tpu.memory_space<vmem>>, vector<1x16xi32>,
      %get3A_146 = vector.shape_cast %get3A_145 : vector<1x16xi32> to vector<16xi32>
      %add3A_147 = arith.addi %mul3A_142, %get3A_146 : vector<16xi32>
      %swap3A_148 = arith.index_cast %scan3A_85 : i32 to index
      %swap3A_149 = arith.constant 48 : index
      %swap3A_150 = tpu.vector_load %arg9[%swap3A_148, %swap3A_149] {strides = array<i32>} : memref<40x128xi32, #tpu.memory_space<vmem>>, vector<1x16xi32>,
      %swap3A_151 = vector.shape_cast %swap3A_150 : vector<1x16xi32> to vector<16xi32>
      %swap3A_152 = vector.shape_cast %add3A_147 : vector<16xi32> to vector<1x16xi32>
      tpu.vector_store %arg9[%swap3A_148, %swap3A_149], %swap3A_152 {strides = array<i32>} : memref<40x128xi32, #tpu.memory_space<vmem>>, vector<1x16xi32>,
      %get3A_153 = arith.index_cast %scan3A_85 : i32 to index
      %get3A_154 = arith.constant 64 : index
      %get3A_155 = tpu.vector_load %arg7[%get3A_153, %get3A_154] {strides = array<i32>} : memref<40x128xi32, #tpu.memory_space<vmem>>, vector<1x16xi32>,
      %get3A_156 = vector.shape_cast %get3A_155 : vector<1x16xi32> to vector<16xi32>
      %mul3A_157 = arith.constant 10000 : i32
      %mul3A_158 = vector.broadcast %mul3A_157 : i32 to vector<16xi32>
      %mul3A_159 = arith.muli %get3A_156, %mul3A_158 : vector<16xi32>
      %get3A_160 = arith.index_cast %scan3A_85 : i32 to index
      %get3A_161 = arith.constant 64 : index
      %get3A_162 = tpu.vector_load %arg9[%get3A_160, %get3A_161] {strides = array<i32>} : memref<40x128xi32, #tpu.memory_space<vmem>>, vector<1x16xi32>,
      %get3A_163 = vector.shape_cast %get3A_162 : vector<1x16xi32> to vector<16xi32>
      %add3A_164 = arith.addi %mul3A_159, %get3A_163 : vector<16xi32>
      %swap3A_165 = arith.index_cast %scan3A_85 : i32 to index
      %swap3A_166 = arith.constant 64 : index
      %swap3A_167 = tpu.vector_load %arg9[%swap3A_165, %swap3A_166] {strides = array<i32>} : memref<40x128xi32, #tpu.memory_space<vmem>>, vector<1x16xi32>,
      %swap3A_168 = vector.shape_cast %swap3A_167 : vector<1x16xi32> to vector<16xi32>
      %swap3A_169 = vector.shape_cast %add3A_164 : vector<16xi32> to vector<1x16xi32>
      tpu.vector_store %arg9[%swap3A_165, %swap3A_166], %swap3A_169 {strides = array<i32>} : memref<40x128xi32, #tpu.memory_space<vmem>>, vector<1x16xi32>,
      %get3A_170 = arith.index_cast %scan3A_85 : i32 to index
      %get3A_171 = arith.constant 80 : index
      %get3A_172 = tpu.vector_load %arg7[%get3A_170, %get3A_171] {strides = array<i32>} : memref<40x128xi32, #tpu.memory_space<vmem>>, vector<1x16xi32>,
      %get3A_173 = vector.shape_cast %get3A_172 : vector<1x16xi32> to vector<16xi32>
      %mul3A_174 = arith.constant 10000 : i32
      %mul3A_175 = vector.broadcast %mul3A_174 : i32 to vector<16xi32>
      %mul3A_176 = arith.muli %get3A_173, %mul3A_175 : vector<16xi32>
      %get3A_177 = arith.index_cast %scan3A_85 : i32 to index
      %get3A_178 = arith.constant 80 : index
      %get3A_179 = tpu.vector_load %arg9[%get3A_177, %get3A_178] {strides = array<i32>} : memref<40x128xi32, #tpu.memory_space<vmem>>, vector<1x16xi32>,
      %get3A_180 = vector.shape_cast %get3A_179 : vector<1x16xi32> to vector<16xi32>
      %add3A_181 = arith.addi %mul3A_176, %get3A_180 : vector<16xi32>
      %swap3A_182 = arith.index_cast %scan3A_85 : i32 to index
      %swap3A_183 = arith.constant 80 : index
      %swap3A_184 = tpu.vector_load %arg9[%swap3A_182, %swap3A_183] {strides = array<i32>} : memref<40x128xi32, #tpu.memory_space<vmem>>, vector<1x16xi32>,
      %swap3A_185 = vector.shape_cast %swap3A_184 : vector<1x16xi32> to vector<16xi32>
      %swap3A_186 = vector.shape_cast %add3A_181 : vector<16xi32> to vector<1x16xi32>
      tpu.vector_store %arg9[%swap3A_182, %swap3A_183], %swap3A_186 {strides = array<i32>} : memref<40x128xi32, #tpu.memory_space<vmem>>, vector<1x16xi32>,
      %get3A_187 = arith.index_cast %scan3A_85 : i32 to index
      %get3A_188 = arith.constant 96 : index
      %get3A_189 = tpu.vector_load %arg7[%get3A_187, %get3A_188] {strides = array<i32>} : memref<40x128xi32, #tpu.memory_space<vmem>>, vector<1x16xi32>,
      %get3A_190 = vector.shape_cast %get3A_189 : vector<1x16xi32> to vector<16xi32>
      %mul3A_191 = arith.constant 10000 : i32
      %mul3A_192 = vector.broadcast %mul3A_191 : i32 to vector<16xi32>
      %mul3A_193 = arith.muli %get3A_190, %mul3A_192 : vector<16xi32>
      %get3A_194 = arith.index_cast %scan3A_85 : i32 to index
      %get3A_195 = arith.constant 96 : index
      %get3A_196 = tpu.vector_load %arg9[%get3A_194, %get3A_195] {strides = array<i32>} : memref<40x128xi32, #tpu.memory_space<vmem>>, vector<1x16xi32>,
      %get3A_197 = vector.shape_cast %get3A_196 : vector<1x16xi32> to vector<16xi32>
      %add3A_198 = arith.addi %mul3A_193, %get3A_197 : vector<16xi32>
      %swap3A_199 = arith.index_cast %scan3A_85 : i32 to index
      %swap3A_200 = arith.constant 96 : index
      %swap3A_201 = tpu.vector_load %arg9[%swap3A_199, %swap3A_200] {strides = array<i32>} : memref<40x128xi32, #tpu.memory_space<vmem>>, vector<1x16xi32>,
      %swap3A_202 = vector.shape_cast %swap3A_201 : vector<1x16xi32> to vector<16xi32>
      %swap3A_203 = vector.shape_cast %add3A_198 : vector<16xi32> to vector<1x16xi32>
      tpu.vector_store %arg9[%swap3A_199, %swap3A_200], %swap3A_203 {strides = array<i32>} : memref<40x128xi32, #tpu.memory_space<vmem>>, vector<1x16xi32>,
      %get3A_204 = arith.index_cast %scan3A_85 : i32 to index
      %get3A_205 = arith.constant 112 : index
      %get3A_206 = tpu.vector_load %arg7[%get3A_204, %get3A_205] {strides = array<i32>} : memref<40x128xi32, #tpu.memory_space<vmem>>, vector<1x16xi32>,
      %get3A_207 = vector.shape_cast %get3A_206 : vector<1x16xi32> to vector<16xi32>
      %mul3A_208 = arith.constant 10000 : i32
      %mul3A_209 = vector.broadcast %mul3A_208 : i32 to vector<16xi32>
      %mul3A_210 = arith.muli %get3A_207, %mul3A_209 : vector<16xi32>
      %get3A_211 = arith.index_cast %scan3A_85 : i32 to index
      %get3A_212 = arith.constant 112 : index
      %get3A_213 = tpu.vector_load %arg9[%get3A_211, %get3A_212] {strides = array<i32>} : memref<40x128xi32, #tpu.memory_space<vmem>>, vector<1x16xi32>,
      %get3A_214 = vector.shape_cast %get3A_213 : vector<1x16xi32> to vector<16xi32>
      %add3A_215 = arith.addi %mul3A_210, %get3A_214 : vector<16xi32>
      %swap3A_216 = arith.index_cast %scan3A_85 : i32 to index
      %swap3A_217 = arith.constant 112 : index
      %swap3A_218 = tpu.vector_load %arg9[%swap3A_216, %swap3A_217] {strides = array<i32>} : memref<40x128xi32, #tpu.memory_space<vmem>>, vector<1x16xi32>,
      %swap3A_219 = vector.shape_cast %swap3A_218 : vector<1x16xi32> to vector<16xi32>
      %swap3A_220 = vector.shape_cast %add3A_215 : vector<16xi32> to vector<1x16xi32>
      tpu.vector_store %arg9[%swap3A_216, %swap3A_217], %swap3A_220 {strides = array<i32>} : memref<40x128xi32, #tpu.memory_space<vmem>>, vector<1x16xi32>,
      %scan3A_221 = arith.constant 0 : i32
      scf.yield %scan3A_221 : i32
    }
    %scan3A_64 = arith.constant 40 : i32
    %dma_start3A_65 = arith.constant 0 : i32
    %dma_start3A_66 = arith.constant 0 : i32
    %dma_start3A_67 = arith.constant 0 : i32
    %dma_start3A_68 = arith.constant 0 : i32
    %dma_start3A_69 = tpu.memref_slice %arg10[%dma_start3A_66, %dma_start3A_67, %dma_start3A_68] : memref<2x128x128xf32, #tpu.memory_space<vmem>> -> memref<1x128x128xf32, #tpu.memory_space<vmem>>
    %dma_start3A_70 = tpu.memref_squeeze %dma_start3A_69 : memref<1x128x128xf32, #tpu.memory_space<vmem>> -> memref<128x128xf32, #tpu.memory_space<vmem>>
    %dma_start3A_71 = arith.constant 0 : i32
    %dma_start3A_72 = tpu.memref_slice %arg9[%dma_start3A_65, %dma_start3A_71] : memref<40x128xi32, #tpu.memory_space<vmem>> -> memref<1x128xi32, #tpu.memory_space<vmem>>
    %dma_start3A_73 = tpu.memref_squeeze %dma_start3A_72 : memref<1x128xi32, #tpu.memory_space<vmem>> -> memref<128xi32, #tpu.memory_space<vmem>>
    %dma_start3A_74 = arith.constant 0 : i32
    %dma_start3A_75 = arith.constant 0 : i32
    %dma_start3A_76 = tpu.memref_slice %arg2[%dma_start3A_74, %dma_start3A_75] : memref<80000x128xf32, #tpu.memory_space<hbm>> -> memref<80000x128xf32, #tpu.memory_space<hbm>>
    tpu.enqueue_indirect_dma source(%dma_start3A_76 : memref<80000x128xf32, #tpu.memory_space<hbm>>) target(%dma_start3A_70 : memref<128x128xf32, #tpu.memory_space<vmem>>) offsets(%dma_start3A_73 : memref<128xi32, #tpu.memory_space<vmem>>) semaphore(%arg12 : memref<!tpu.dma_semaphore, #tpu.memory_space<semaphore_mem>>)
    %scan3A_77 = arith.constant 0 : i32
    %scan3A_78 = arith.constant 0 : i32
    %scan3A_79 = arith.constant 40 : i32
    %scan3A_80 = arith.addi %scan3A_78, %scan3A_79 : i32
    %scan3A_81 = arith.constant 1 : i32
    %scan3A_82 = scf.for %scan3A_85 = %scan3A_78 to %scan3A_80 step %scan3A_81 iter_args(%scan3A_86 = %scan3A_77) -> (i32)  : i32 {
      %rem3A = arith.constant 2 : i32
      %rem3A_87 = arith.remsi %scan3A_85, %rem3A : i32
      %add3A_88 = arith.constant 1 : i32
      %add3A_89 = arith.addi %scan3A_85, %add3A_88 : i32
      %lt3A = arith.constant 40 : i32
      %lt3A_90 = arith.cmpi slt, %add3A_89, %lt3A : i32
      %convert_element_type3A = arith.extui %lt3A_90 : i1 to i32
      %cond3A = arith.constant 0 : i32
      %cond3A_91 = arith.cmpi ne, %convert_element_type3A, %cond3A : i32
      scf.if %cond3A_91 {
        %add3A_102 = arith.constant 1 : i32
        %add3A_103 = arith.addi %scan3A_85, %add3A_102 : i32
        %sub3A = arith.constant 1 : i32
        %sub3A_104 = arith.subi %sub3A, %rem3A_87 : i32
        %dma_start3A_105 = arith.constant 0 : i32
        %dma_start3A_106 = arith.constant 0 : i32
        %dma_start3A_107 = tpu.memref_slice %arg10[%sub3A_104, %dma_start3A_105, %dma_start3A_106] : memref<2x128x128xf32, #tpu.memory_space<vmem>> -> memref<1x128x128xf32, #tpu.memory_space<vmem>>
        %dma_start3A_108 = tpu.memref_squeeze %dma_start3A_107 : memref<1x128x128xf32, #tpu.memory_space<vmem>> -> memref<128x128xf32, #tpu.memory_space<vmem>>
        %dma_start3A_109 = arith.constant 0 : i32
        %dma_start3A_110 = tpu.memref_slice %arg9[%add3A_103, %dma_start3A_109] : memref<40x128xi32, #tpu.memory_space<vmem>> -> memref<1x128xi32, #tpu.memory_space<vmem>>
        %dma_start3A_111 = tpu.memref_squeeze %dma_start3A_110 : memref<1x128xi32, #tpu.memory_space<vmem>> -> memref<128xi32, #tpu.memory_space<vmem>>
        %dma_start3A_112 = arith.constant 0 : i32
        %dma_start3A_113 = arith.constant 0 : i32
        %dma_start3A_114 = tpu.memref_slice %arg2[%dma_start3A_112, %dma_start3A_113] : memref<80000x128xf32, #tpu.memory_space<hbm>> -> memref<80000x128xf32, #tpu.memory_space<hbm>>
        tpu.enqueue_indirect_dma source(%dma_start3A_114 : memref<80000x128xf32, #tpu.memory_space<hbm>>) target(%dma_start3A_108 : memref<128x128xf32, #tpu.memory_space<vmem>>) offsets(%dma_start3A_111 : memref<128xi32, #tpu.memory_space<vmem>>) semaphore(%arg12 : memref<!tpu.dma_semaphore, #tpu.memory_space<semaphore_mem>>)
      } else {
      }
      %dma_wait3A = arith.constant 0 : i32
      %dma_wait3A_92 = arith.constant 0 : i32
      %dma_wait3A_93 = tpu.memref_slice %arg10[%rem3A_87, %dma_wait3A, %dma_wait3A_92] : memref<2x128x128xf32, #tpu.memory_space<vmem>> -> memref<1x128x128xf32, #tpu.memory_space<vmem>>
      %dma_wait3A_94 = tpu.memref_squeeze %dma_wait3A_93 : memref<1x128x128xf32, #tpu.memory_space<vmem>> -> memref<128x128xf32, #tpu.memory_space<vmem>>
      %dma_wait3A_95 = arith.constant 0 : i32
      %dma_wait3A_96 = tpu.memref_slice %arg9[%scan3A_85, %dma_wait3A_95] : memref<40x128xi32, #tpu.memory_space<vmem>> -> memref<1x128xi32, #tpu.memory_space<vmem>>
      %dma_wait3A_97 = tpu.memref_squeeze %dma_wait3A_96 : memref<1x128xi32, #tpu.memory_space<vmem>> -> memref<128xi32, #tpu.memory_space<vmem>>
      %dma_wait3A_98 = arith.constant 0 : i32
      %dma_wait3A_99 = arith.constant 0 : i32
      %dma_wait3A_100 = tpu.memref_slice %arg2[%dma_wait3A_98, %dma_wait3A_99] : memref<80000x128xf32, #tpu.memory_space<hbm>> -> memref<80000x128xf32, #tpu.memory_space<hbm>>
      tpu.wait_indirect_dma semaphore(%arg12 : memref<!tpu.dma_semaphore, #tpu.memory_space<semaphore_mem>>) src(%dma_wait3A_100 : memref<80000x128xf32, #tpu.memory_space<hbm>>) dst(%dma_wait3A_94 : memref<128x128xf32, #tpu.memory_space<vmem>>)
      "tpu.region"() ({
        %run_scoped3A_102 = tpu.sem_alloc : memref<!tpu.dma_semaphore, #tpu.memory_space<semaphore_mem>>
        %dma_start3A_103 = arith.constant 0 : i32
        %dma_start3A_104 = arith.constant 0 : i32
        %dma_start3A_105 = tpu.memref_slice %arg10[%rem3A_87, %dma_start3A_103, %dma_start3A_104] : memref<2x128x128xf32, #tpu.memory_space<vmem>> -> memref<1x128x128xf32, #tpu.memory_space<vmem>>
        %dma_start3A_106 = tpu.memref_squeeze %dma_start3A_105 : memref<1x128x128xf32, #tpu.memory_space<vmem>> -> memref<128x128xf32, #tpu.memory_space<vmem>>
        %dma_start3A_107 = arith.constant 0 : i32
        %dma_start3A_108 = tpu.memref_slice %arg8[%scan3A_85, %dma_start3A_107] : memref<40x128xi32, #tpu.memory_space<vmem>> -> memref<1x128xi32, #tpu.memory_space<vmem>>
        %dma_start3A_109 = tpu.memref_squeeze %dma_start3A_108 : memref<1x128xi32, #tpu.memory_space<vmem>> -> memref<128xi32, #tpu.memory_space<vmem>>
        %dma_start3A_110 = arith.constant 0 : i32
        %dma_start3A_111 = arith.constant 0 : i32
        %dma_start3A_112 = tpu.memref_slice %arg11[%dma_start3A_110, %dma_start3A_111] : memref<10112x128xf32, #tpu.memory_space<vmem_shared>> -> memref<10112x128xf32, #tpu.memory_space<vmem_shared>>
        tpu.enqueue_indirect_dma source(%dma_start3A_106 : memref<128x128xf32, #tpu.memory_space<vmem>>) target(%dma_start3A_112 : memref<10112x128xf32, #tpu.memory_space<vmem_shared>>) offsets(%dma_start3A_109 : memref<128xi32, #tpu.memory_space<vmem>>) semaphore(%run_scoped3A_102 : memref<!tpu.dma_semaphore, #tpu.memory_space<semaphore_mem>>) {add = true}
        %dma_wait3A_113 = arith.constant 0 : i32
        %dma_wait3A_114 = arith.constant 0 : i32
        %dma_wait3A_115 = tpu.memref_slice %arg10[%rem3A_87, %dma_wait3A_113, %dma_wait3A_114] : memref<2x128x128xf32, #tpu.memory_space<vmem>> -> memref<1x128x128xf32, #tpu.memory_space<vmem>>
        %dma_wait3A_116 = tpu.memref_squeeze %dma_wait3A_115 : memref<1x128x128xf32, #tpu.memory_space<vmem>> -> memref<128x128xf32, #tpu.memory_space<vmem>>
        %dma_wait3A_117 = arith.constant 0 : i32
        %dma_wait3A_118 = tpu.memref_slice %arg8[%scan3A_85, %dma_wait3A_117] : memref<40x128xi32, #tpu.memory_space<vmem>> -> memref<1x128xi32, #tpu.memory_space<vmem>>
        %dma_wait3A_119 = tpu.memref_squeeze %dma_wait3A_118 : memref<1x128xi32, #tpu.memory_space<vmem>> -> memref<128xi32, #tpu.memory_space<vmem>>
        %dma_wait3A_120 = arith.constant 0 : i32
        %dma_wait3A_121 = arith.constant 0 : i32
        %dma_wait3A_122 = tpu.memref_slice %arg11[%dma_wait3A_120, %dma_wait3A_121] : memref<10112x128xf32, #tpu.memory_space<vmem_shared>> -> memref<10112x128xf32, #tpu.memory_space<vmem_shared>>
        tpu.wait_indirect_dma semaphore(%run_scoped3A_102 : memref<!tpu.dma_semaphore, #tpu.memory_space<semaphore_mem>>) src(%dma_wait3A_116 : memref<128x128xf32, #tpu.memory_space<vmem>>) dst(%dma_wait3A_122 : memref<10112x128xf32, #tpu.memory_space<vmem_shared>>)
        tpu.yield
      }) : () -> ()
      %scan3A_101 = arith.constant 0 : i32
      scf.yield %scan3A_101 : i32
    }
    %scan3A_83 = arith.constant 40 : i32
    %barrier3A_84 = arith.constant 0 : index
    tpu.barrier barrier_id(%barrier3A_84)
    "tpu.region"() ({
      %run_scoped3A_85 = tpu.sem_alloc : memref<!tpu.dma_semaphore, #tpu.memory_space<semaphore_mem>>
      %dma_start3A_86 = arith.constant 0 : i32
      %dma_start3A_87 = tpu.memref_slice %arg6[%mul3A_0, %dma_start3A_86] : memref<10112x128xf32, #tpu.memory_space<hbm>> -> memref<632x128xf32, #tpu.memory_space<hbm>>
      %dma_start3A_88 = arith.constant 0 : i32
      %dma_start3A_89 = tpu.memref_slice %arg11[%mul3A_0, %dma_start3A_88] : memref<10112x128xf32, #tpu.memory_space<vmem_shared>> -> memref<632x128xf32, #tpu.memory_space<vmem_shared>>
      tpu.enqueue_dma source(%dma_start3A_89 : memref<632x128xf32, #tpu.memory_space<vmem_shared>>) target(%dma_start3A_87 : memref<632x128xf32, #tpu.memory_space<hbm>>) target_semaphore(%run_scoped3A_85 : memref<!tpu.dma_semaphore, #tpu.memory_space<semaphore_mem>>)
      %dma_wait3A = arith.constant 0 : i32
      %dma_wait3A_90 = tpu.memref_slice %arg6[%mul3A_0, %dma_wait3A] : memref<10112x128xf32, #tpu.memory_space<hbm>> -> memref<632x128xf32, #tpu.memory_space<hbm>>
      %dma_wait3A_91 = arith.constant 0 : i32
      %dma_wait3A_92 = tpu.memref_slice %arg11[%mul3A_0, %dma_wait3A_91] : memref<10112x128xf32, #tpu.memory_space<vmem_shared>> -> memref<632x128xf32, #tpu.memory_space<vmem_shared>>
      tpu.wait_dma2 semaphore(%run_scoped3A_85 : memref<!tpu.dma_semaphore, #tpu.memory_space<semaphore_mem>>) src(%dma_wait3A_92 : memref<632x128xf32, #tpu.memory_space<vmem_shared>>) dst(%dma_wait3A_90 : memref<632x128xf32, #tpu.memory_space<hbm>>)
      tpu.yield
    }) : () -> ()
    return
  }
}

module attributes {stable_mosaic.version = 14 : i64} {
  func.func @_fin_body(%arg0: i32, %arg1: memref<2000x128xf32, #tpu.memory_space<vmem>>, %arg2: memref<1x128xf32, #tpu.memory_space<vmem>>, %arg3: memref<2000x128xf32, #tpu.memory_space<vmem>>) attributes {dimension_semantics = [#tpu.dimension_semantics<arbitrary>], iteration_bounds = array<i64: 5>, scalar_prefetch = 0 : i64, scratch_operands = 0 : i64, tpu.core_type = #tpu.core_type<tc>, window_params = [{transform_indices = @transform_0, window_bounds = array<i64: 2000, 128>}, {pipeline_mode = #tpu.pipeline_mode<synchronous>, transform_indices = @transform_1, window_bounds = array<i64: 1, 128>}, {transform_indices = @transform_2, window_bounds = array<i64: 2000, 128>}]} {
    %get3A = arith.constant 0 : index
    %get3A_0 = arith.constant 0 : index
    %get3A_1 = vector.load %arg1[%get3A, %get3A_0] : memref<2000x128xf32, #tpu.memory_space<vmem>>, vector<2000x128xf32>
    %get3A_2 = arith.constant 0 : index
    %get3A_3 = arith.constant 0 : index
    %get3A_4 = vector.load %arg2[%get3A_2, %get3A_3] : memref<1x128xf32, #tpu.memory_space<vmem>>, vector<1x128xf32>
    %add3A = vector.broadcast %get3A_4 : vector<1x128xf32> to vector<2000x128xf32>
    %add3A_5 = arith.addf %get3A_1, %add3A : vector<2000x128xf32>
    %max3A = arith.constant 0.000000e+00 : f32
    %max3A_6 = vector.broadcast %max3A : f32 to vector<2000x128xf32>
    %max3A_7 = arith.maximumf %add3A_5, %max3A_6 : vector<2000x128xf32>
    %swap3A = arith.constant 0 : index
    %swap3A_8 = arith.constant 0 : index
    %swap3A_9 = vector.load %arg3[%swap3A, %swap3A_8] : memref<2000x128xf32, #tpu.memory_space<vmem>>, vector<2000x128xf32>
    tpu.vector_store %arg3[%swap3A, %swap3A_8], %max3A_7 {strides = array<i32>} : memref<2000x128xf32, #tpu.memory_space<vmem>>, vector<2000x128xf32>,
    return
  }
  func.func @transform_0(%arg0: i32) -> (i32, i32) {
    %c0_i32 = arith.constant 0 : i32
    %c0_i32_0 = arith.constant 0 : i32
    return %arg0, %c0_i32 : i32, i32
  }
  func.func @transform_1(%arg0: i32) -> (i32, i32) {
    %c0_i32 = arith.constant 0 : i32
    %c0_i32_0 = arith.constant 0 : i32
    %c0_i32_1 = arith.constant 0 : i32
    return %c0_i32, %c0_i32_0 : i32, i32
  }
  func.func @transform_2(%arg0: i32) -> (i32, i32) {
    %c0_i32 = arith.constant 0 : i32
    %c0_i32_0 = arith.constant 0 : i32
    return %arg0, %c0_i32 : i32, i32
  }
}

module attributes {stable_mosaic.version = 14 : i64} {
  func.func @_xw_body(%arg0: i32, %arg1: memref<1000x128xf32, #tpu.memory_space<vmem>>, %arg2: memref<8x128x128xf32, #tpu.memory_space<vmem>>, %arg3: memref<8x1000x128xf32, #tpu.memory_space<vmem>>) attributes {dimension_semantics = [#tpu.dimension_semantics<arbitrary>], iteration_bounds = array<i64: 10>, scalar_prefetch = 0 : i64, scratch_operands = 0 : i64, tpu.core_type = #tpu.core_type<tc>, window_params = [{transform_indices = @transform_0, window_bounds = array<i64: 1000, 128>}, {pipeline_mode = #tpu.pipeline_mode<synchronous>, transform_indices = @transform_1, window_bounds = array<i64: 8, 128, 128>}, {transform_indices = @transform_2, window_bounds = array<i64: 8, 1000, 128>}]} {
    %get3A = arith.constant 0 : index
    %get3A_0 = arith.constant 0 : index
    %get3A_1 = vector.load %arg1[%get3A, %get3A_0] : memref<1000x128xf32, #tpu.memory_space<vmem>>, vector<1000x128xf32>
    %get3A_2 = arith.constant 0 : index
    %get3A_3 = arith.constant 0 : index
    %get3A_4 = arith.constant 0 : index
    %get3A_5 = vector.load %arg2[%get3A_2, %get3A_3, %get3A_4] : memref<8x128x128xf32, #tpu.memory_space<vmem>>, vector<1x128x128xf32>
    %get3A_6 = vector.shape_cast %get3A_5 : vector<1x128x128xf32> to vector<128x128xf32>
    %dot_general3A = arith.constant dense<0.000000e+00> : vector<1000x128xf32>
    %dot_general3A_7 = tpu.matmul %get3A_1, %get3A_6, %dot_general3A {dimension_numbers = #tpu.dot_dimension_numbers<[1], [0], [0], [1], [0, 0, 1, 1], [], []>, transpose_lhs_hint = false} : vector<1000x128xf32>, vector<128x128xf32>, vector<1000x128xf32> -> vector<1000x128xf32>
    %swap3A = arith.constant 0 : index
    %swap3A_8 = arith.constant 0 : index
    %swap3A_9 = arith.constant 0 : index
    %swap3A_10 = vector.load %arg3[%swap3A, %swap3A_8, %swap3A_9] : memref<8x1000x128xf32, #tpu.memory_space<vmem>>, vector<1x1000x128xf32>
    %swap3A_11 = vector.shape_cast %swap3A_10 : vector<1x1000x128xf32> to vector<1000x128xf32>
    %swap3A_12 = vector.shape_cast %dot_general3A_7 : vector<1000x128xf32> to vector<1x1000x128xf32>
    tpu.vector_store %arg3[%swap3A, %swap3A_8, %swap3A_9], %swap3A_12 {strides = array<i32>} : memref<8x1000x128xf32, #tpu.memory_space<vmem>>, vector<1x1000x128xf32>,
    %get3A_13 = arith.constant 1 : index
    %get3A_14 = arith.constant 0 : index
    %get3A_15 = arith.constant 0 : index
    %get3A_16 = vector.load %arg2[%get3A_13, %get3A_14, %get3A_15] : memref<8x128x128xf32, #tpu.memory_space<vmem>>, vector<1x128x128xf32>
    %get3A_17 = vector.shape_cast %get3A_16 : vector<1x128x128xf32> to vector<128x128xf32>
    %dot_general3A_18 = arith.constant dense<0.000000e+00> : vector<1000x128xf32>
    %dot_general3A_19 = tpu.matmul %get3A_1, %get3A_17, %dot_general3A_18 {dimension_numbers = #tpu.dot_dimension_numbers<[1], [0], [0], [1], [0, 0, 1, 1], [], []>, transpose_lhs_hint = false} : vector<1000x128xf32>, vector<128x128xf32>, vector<1000x128xf32> -> vector<1000x128xf32>
    %swap3A_20 = arith.constant 1 : index
    %swap3A_21 = arith.constant 0 : index
    %swap3A_22 = arith.constant 0 : index
    %swap3A_23 = vector.load %arg3[%swap3A_20, %swap3A_21, %swap3A_22] : memref<8x1000x128xf32, #tpu.memory_space<vmem>>, vector<1x1000x128xf32>
    %swap3A_24 = vector.shape_cast %swap3A_23 : vector<1x1000x128xf32> to vector<1000x128xf32>
    %swap3A_25 = vector.shape_cast %dot_general3A_19 : vector<1000x128xf32> to vector<1x1000x128xf32>
    tpu.vector_store %arg3[%swap3A_20, %swap3A_21, %swap3A_22], %swap3A_25 {strides = array<i32>} : memref<8x1000x128xf32, #tpu.memory_space<vmem>>, vector<1x1000x128xf32>,
    %get3A_26 = arith.constant 2 : index
    %get3A_27 = arith.constant 0 : index
    %get3A_28 = arith.constant 0 : index
    %get3A_29 = vector.load %arg2[%get3A_26, %get3A_27, %get3A_28] : memref<8x128x128xf32, #tpu.memory_space<vmem>>, vector<1x128x128xf32>
    %get3A_30 = vector.shape_cast %get3A_29 : vector<1x128x128xf32> to vector<128x128xf32>
    %dot_general3A_31 = arith.constant dense<0.000000e+00> : vector<1000x128xf32>
    %dot_general3A_32 = tpu.matmul %get3A_1, %get3A_30, %dot_general3A_31 {dimension_numbers = #tpu.dot_dimension_numbers<[1], [0], [0], [1], [0, 0, 1, 1], [], []>, transpose_lhs_hint = false} : vector<1000x128xf32>, vector<128x128xf32>, vector<1000x128xf32> -> vector<1000x128xf32>
    %swap3A_33 = arith.constant 2 : index
    %swap3A_34 = arith.constant 0 : index
    %swap3A_35 = arith.constant 0 : index
    %swap3A_36 = vector.load %arg3[%swap3A_33, %swap3A_34, %swap3A_35] : memref<8x1000x128xf32, #tpu.memory_space<vmem>>, vector<1x1000x128xf32>
    %swap3A_37 = vector.shape_cast %swap3A_36 : vector<1x1000x128xf32> to vector<1000x128xf32>
    %swap3A_38 = vector.shape_cast %dot_general3A_32 : vector<1000x128xf32> to vector<1x1000x128xf32>
    tpu.vector_store %arg3[%swap3A_33, %swap3A_34, %swap3A_35], %swap3A_38 {strides = array<i32>} : memref<8x1000x128xf32, #tpu.memory_space<vmem>>, vector<1x1000x128xf32>,
    %get3A_39 = arith.constant 3 : index
    %get3A_40 = arith.constant 0 : index
    %get3A_41 = arith.constant 0 : index
    %get3A_42 = vector.load %arg2[%get3A_39, %get3A_40, %get3A_41] : memref<8x128x128xf32, #tpu.memory_space<vmem>>, vector<1x128x128xf32>
    %get3A_43 = vector.shape_cast %get3A_42 : vector<1x128x128xf32> to vector<128x128xf32>
    %dot_general3A_44 = arith.constant dense<0.000000e+00> : vector<1000x128xf32>
    %dot_general3A_45 = tpu.matmul %get3A_1, %get3A_43, %dot_general3A_44 {dimension_numbers = #tpu.dot_dimension_numbers<[1], [0], [0], [1], [0, 0, 1, 1], [], []>, transpose_lhs_hint = false} : vector<1000x128xf32>, vector<128x128xf32>, vector<1000x128xf32> -> vector<1000x128xf32>
    %swap3A_46 = arith.constant 3 : index
    %swap3A_47 = arith.constant 0 : index
    %swap3A_48 = arith.constant 0 : index
    %swap3A_49 = vector.load %arg3[%swap3A_46, %swap3A_47, %swap3A_48] : memref<8x1000x128xf32, #tpu.memory_space<vmem>>, vector<1x1000x128xf32>
    %swap3A_50 = vector.shape_cast %swap3A_49 : vector<1x1000x128xf32> to vector<1000x128xf32>
    %swap3A_51 = vector.shape_cast %dot_general3A_45 : vector<1000x128xf32> to vector<1x1000x128xf32>
    tpu.vector_store %arg3[%swap3A_46, %swap3A_47, %swap3A_48], %swap3A_51 {strides = array<i32>} : memref<8x1000x128xf32, #tpu.memory_space<vmem>>, vector<1x1000x128xf32>,
    %get3A_52 = arith.constant 4 : index
    %get3A_53 = arith.constant 0 : index
    %get3A_54 = arith.constant 0 : index
    %get3A_55 = vector.load %arg2[%get3A_52, %get3A_53, %get3A_54] : memref<8x128x128xf32, #tpu.memory_space<vmem>>, vector<1x128x128xf32>
    %get3A_56 = vector.shape_cast %get3A_55 : vector<1x128x128xf32> to vector<128x128xf32>
    %dot_general3A_57 = arith.constant dense<0.000000e+00> : vector<1000x128xf32>
    %dot_general3A_58 = tpu.matmul %get3A_1, %get3A_56, %dot_general3A_57 {dimension_numbers = #tpu.dot_dimension_numbers<[1], [0], [0], [1], [0, 0, 1, 1], [], []>, transpose_lhs_hint = false} : vector<1000x128xf32>, vector<128x128xf32>, vector<1000x128xf32> -> vector<1000x128xf32>
    %swap3A_59 = arith.constant 4 : index
    %swap3A_60 = arith.constant 0 : index
    %swap3A_61 = arith.constant 0 : index
    %swap3A_62 = vector.load %arg3[%swap3A_59, %swap3A_60, %swap3A_61] : memref<8x1000x128xf32, #tpu.memory_space<vmem>>, vector<1x1000x128xf32>
    %swap3A_63 = vector.shape_cast %swap3A_62 : vector<1x1000x128xf32> to vector<1000x128xf32>
    %swap3A_64 = vector.shape_cast %dot_general3A_58 : vector<1000x128xf32> to vector<1x1000x128xf32>
    tpu.vector_store %arg3[%swap3A_59, %swap3A_60, %swap3A_61], %swap3A_64 {strides = array<i32>} : memref<8x1000x128xf32, #tpu.memory_space<vmem>>, vector<1x1000x128xf32>,
    %get3A_65 = arith.constant 5 : index
    %get3A_66 = arith.constant 0 : index
    %get3A_67 = arith.constant 0 : index
    %get3A_68 = vector.load %arg2[%get3A_65, %get3A_66, %get3A_67] : memref<8x128x128xf32, #tpu.memory_space<vmem>>, vector<1x128x128xf32>
    %get3A_69 = vector.shape_cast %get3A_68 : vector<1x128x128xf32> to vector<128x128xf32>
    %dot_general3A_70 = arith.constant dense<0.000000e+00> : vector<1000x128xf32>
    %dot_general3A_71 = tpu.matmul %get3A_1, %get3A_69, %dot_general3A_70 {dimension_numbers = #tpu.dot_dimension_numbers<[1], [0], [0], [1], [0, 0, 1, 1], [], []>, transpose_lhs_hint = false} : vector<1000x128xf32>, vector<128x128xf32>, vector<1000x128xf32> -> vector<1000x128xf32>
    %swap3A_72 = arith.constant 5 : index
    %swap3A_73 = arith.constant 0 : index
    %swap3A_74 = arith.constant 0 : index
    %swap3A_75 = vector.load %arg3[%swap3A_72, %swap3A_73, %swap3A_74] : memref<8x1000x128xf32, #tpu.memory_space<vmem>>, vector<1x1000x128xf32>
    %swap3A_76 = vector.shape_cast %swap3A_75 : vector<1x1000x128xf32> to vector<1000x128xf32>
    %swap3A_77 = vector.shape_cast %dot_general3A_71 : vector<1000x128xf32> to vector<1x1000x128xf32>
    tpu.vector_store %arg3[%swap3A_72, %swap3A_73, %swap3A_74], %swap3A_77 {strides = array<i32>} : memref<8x1000x128xf32, #tpu.memory_space<vmem>>, vector<1x1000x128xf32>,
    %get3A_78 = arith.constant 6 : index
    %get3A_79 = arith.constant 0 : index
    %get3A_80 = arith.constant 0 : index
    %get3A_81 = vector.load %arg2[%get3A_78, %get3A_79, %get3A_80] : memref<8x128x128xf32, #tpu.memory_space<vmem>>, vector<1x128x128xf32>
    %get3A_82 = vector.shape_cast %get3A_81 : vector<1x128x128xf32> to vector<128x128xf32>
    %dot_general3A_83 = arith.constant dense<0.000000e+00> : vector<1000x128xf32>
    %dot_general3A_84 = tpu.matmul %get3A_1, %get3A_82, %dot_general3A_83 {dimension_numbers = #tpu.dot_dimension_numbers<[1], [0], [0], [1], [0, 0, 1, 1], [], []>, transpose_lhs_hint = false} : vector<1000x128xf32>, vector<128x128xf32>, vector<1000x128xf32> -> vector<1000x128xf32>
    %swap3A_85 = arith.constant 6 : index
    %swap3A_86 = arith.constant 0 : index
    %swap3A_87 = arith.constant 0 : index
    %swap3A_88 = vector.load %arg3[%swap3A_85, %swap3A_86, %swap3A_87] : memref<8x1000x128xf32, #tpu.memory_space<vmem>>, vector<1x1000x128xf32>
    %swap3A_89 = vector.shape_cast %swap3A_88 : vector<1x1000x128xf32> to vector<1000x128xf32>
    %swap3A_90 = vector.shape_cast %dot_general3A_84 : vector<1000x128xf32> to vector<1x1000x128xf32>
    tpu.vector_store %arg3[%swap3A_85, %swap3A_86, %swap3A_87], %swap3A_90 {strides = array<i32>} : memref<8x1000x128xf32, #tpu.memory_space<vmem>>, vector<1x1000x128xf32>,
    %get3A_91 = arith.constant 7 : index
    %get3A_92 = arith.constant 0 : index
    %get3A_93 = arith.constant 0 : index
    %get3A_94 = vector.load %arg2[%get3A_91, %get3A_92, %get3A_93] : memref<8x128x128xf32, #tpu.memory_space<vmem>>, vector<1x128x128xf32>
    %get3A_95 = vector.shape_cast %get3A_94 : vector<1x128x128xf32> to vector<128x128xf32>
    %dot_general3A_96 = arith.constant dense<0.000000e+00> : vector<1000x128xf32>
    %dot_general3A_97 = tpu.matmul %get3A_1, %get3A_95, %dot_general3A_96 {dimension_numbers = #tpu.dot_dimension_numbers<[1], [0], [0], [1], [0, 0, 1, 1], [], []>, transpose_lhs_hint = false} : vector<1000x128xf32>, vector<128x128xf32>, vector<1000x128xf32> -> vector<1000x128xf32>
    %swap3A_98 = arith.constant 7 : index
    %swap3A_99 = arith.constant 0 : index
    %swap3A_100 = arith.constant 0 : index
    %swap3A_101 = vector.load %arg3[%swap3A_98, %swap3A_99, %swap3A_100] : memref<8x1000x128xf32, #tpu.memory_space<vmem>>, vector<1x1000x128xf32>
    %swap3A_102 = vector.shape_cast %swap3A_101 : vector<1x1000x128xf32> to vector<1000x128xf32>
    %swap3A_103 = vector.shape_cast %dot_general3A_97 : vector<1000x128xf32> to vector<1x1000x128xf32>
    tpu.vector_store %arg3[%swap3A_98, %swap3A_99, %swap3A_100], %swap3A_103 {strides = array<i32>} : memref<8x1000x128xf32, #tpu.memory_space<vmem>>, vector<1x1000x128xf32>,
    return
  }
  func.func @transform_0(%arg0: i32) -> (i32, i32) {
    %c0_i32 = arith.constant 0 : i32
    %c0_i32_0 = arith.constant 0 : i32
    return %arg0, %c0_i32 : i32, i32
  }
  func.func @transform_1(%arg0: i32) -> (i32, i32, i32) {
    %c0_i32 = arith.constant 0 : i32
    %c0_i32_0 = arith.constant 0 : i32
    %c0_i32_1 = arith.constant 0 : i32
    %c0_i32_2 = arith.constant 0 : i32
    return %c0_i32, %c0_i32_0, %c0_i32_1 : i32, i32, i32
  }
  func.func @transform_2(%arg0: i32) -> (i32, i32, i32) {
    %c0_i32 = arith.constant 0 : i32
    %c0_i32_0 = arith.constant 0 : i32
    %c0_i32_1 = arith.constant 0 : i32
    return %c0_i32, %arg0, %c0_i32_0 : i32, i32, i32
  }
}

</mosaic_0001>

<sc_bundles>
// kernel: kernel.5.cloned.1.call-start
scs
__scs_entry_jumppad:
0x0: {  	(pc) =	sbr.rel $0x88, $3  }
0x1: {  	(tag) =	ssettag $0x0;
	lr =	simm.s32 $0x1  }
0x2: {  	[smem:$0x3F9C] =	sst lr;
	_ =	strace $0xD0000000  }
0x3: {  	_ = 	snop  }
0x4: {  	_ = 	snop  }
0x5: {  	_ = 	snop  }
0x6: {  	_ = 	snop  }
0x7: {  	_ = 	snop  }
__scs_overlays_trampoline_lowered:
0x8: {  	[smem:$0x3FAB] =	sst s0  }
0x9: {  	[smem:$0x3FAC] =	sst s1  }
0xa: {  	[smem:$0x3FAD] =	sst s2  }
0xb: {  	[smem:$0x3FAE] =	sst s3  }
0xc: {  	[smem:$0x3FAF] =	sst s4  }
0xd: {  	[smem:$0x3FB0] =	sst s5  }
0xe: {  	[smem:$0x3FB1] =	sst s6  }
0xf: {  	[smem:$0x3FB2] =	sst s7  }
0x10: {  	[smem:$0x3FB3] =	sst s8  }
0x11: {  	[smem:$0x3FB4] =	sst s9;
	s0 =	simm.s32 @!p0 $0x0  }
0x12: {  	s1 =	sld [smem:$0x3F9A];
	s0 =	simm.s32 @p0 $0x1  }
0x13: {  	[smem:$0x3FB5] =	sst s0;
	s0 =	simm.s32 @!p1 $0x0  }
0x14: {  	s2 =	sld [smem:$0x3F99];
	s0 =	simm.s32 @p1 $0x1  }
0x15: {  	[smem:$0x3FB6] =	sst s0;
	s0 =	simm.s32 @!p2 $0x0  }
0x16: {  	s3 =	sld [smem:$0x3FDB];
	s0 =	simm.s32 @p2 $0x1  }
0x17: {  	s4 =	simm.s32 $0x1BF5;
	[smem:$0x3FB8] =	sst s0  }
0x18: {  	s0 =	sld [smem:$0x3F9B];
	_ =	swait.ge [sflag:s4], $0x0  }
0x19: {  	s7 =	sld [smem:$0x3F9C]  }
0x1a: {  	s8 =	sadd.s32 $0xFFFFE003, lr  }
0x1b: {  	s9 =	sadd.s32 $0xFFFFFEF7, lr;
	s5 =	simm.s32 $0xFFFFFFFF;
	p2 =	slt.u32 s8, $0xFFFFF086  }
0x1c: {  	p1 =	slt.u32 s9, $0xF7A;
	s5 =	simm.s32 @!p2 $0x0  }
0x1d: {  	s5 =	simm.s32 @p1 $0x1;
	p0 =	seq.s32 s7, s2  }
0x1e: {  	s7 =	smul.u32 @!p0 $0xF7A, s2;
	p2 =	seq.s32 @!p0 s5, $0x0  }
0x1f: {  	s9 =	smul.u32 $0xF7A, s1;
	s8 =	simm.s32 @!p0 $0x1BF5;
	p2 =	por !p2, p0  }
0x20: {  	[sflag:s8] =	ssyncset.s32 @!p0 $0xFFFFF086;
	s6 =	sadd.s32 @!p0 s3, s7;
	s7 =	simm.s32 @!p0 $0x108  }
0x21: {  	s3 =	sadd.s32 s3, s9;
	s6 =	sadd.s32 @!p0 $0x88, s6;
	s7 =	simm.s32 @p2 $0x1082  }
0x22: {  	[simem:s7], [sflag:s8] =	dma.local @!p0 [hbm:s6], $0xF7A  }
0x23: {  	s9 =	sor.u32 $0xD0000000, s2;
	s6 =	simm.s32 $0x108;
	_ =	swait.ge @!p0 [sflag:s8], $0x0  }
0x24: {  	s3 =	sadd.s32 $0x88, s3;
	s6 =	simm.s32 @!p1 $0x1082;
	[sflag:s4] =	ssyncset.s32 $0xFFFFF086  }
0x25: {  	[simem:s6], [sflag:s4] =	dma.local [hbm:s3], $0xF7A  }
0x26: {  	[smem:$0x3F9C] =	sst s1;
	(tag) =	ssettag s2;
	_ =	strace s9  }
0x27: {  	s1 =	sld [smem:$0x3FAC]  }
0x28: {  	s2 =	sld [smem:$0x3FAD]  }
0x29: {  	s4 =	sld [smem:$0x3FAF]  }
0x2a: {  	p0 =	seq.s32 s5, $0x0;
	s5 =	sld [smem:$0x3FB0]  }
0x2b: {  	s6 =	sld [smem:$0x3FB1]  }
0x2c: {  	s7 =	sld [smem:$0x3FB2]  }
0x2d: {  	s3 =	simm.s32 $0x108;
	s8 =	sld [smem:$0x3FB3]  }
0x2e: {  	s3 =	simm.s32 @!p0 $0x1082;
	s9 =	sld [smem:$0x3FB4]  }
0x2f: {  	lr =	sadd.s32 s0, s3;
	s0 =	sld [smem:$0x3FAB]  }
0x30: {  	s3 =	sld [smem:$0x3FAE]  }
0x31: {  	[smem:$0x3FB7] =	sst s10  }
0x32: {  	s10 =	sld [smem:$0x3FB5];
	_ =	sdelay $0x3  }
0x33: {  	p0 =	seq.s32 s10, $0x1;
	s10 =	sld [smem:$0x3FB7];
	_ =	sdelay $0x3  }
0x34: {  	[smem:$0x3FB7] =	sst s10  }
0x35: {  	s10 =	sld [smem:$0x3FB6];
	_ =	sdelay $0x3  }
0x36: {  	p1 =	seq.s32 s10, $0x1;
	s10 =	sld [smem:$0x3FB7];
	_ =	sdelay $0x3  }
0x37: {  	[smem:$0x3FB7] =	sst s10  }
0x38: {  	s10 =	sld [smem:$0x3FB8]  }
0x39: {  	_ = 	snop;
	(pc) =	sbr.ind lr, $3  }
0x3a: {  	_ = 	snop  }
0x3b: {  	_ = 	snop  }
0x3c: {  	p2 =	seq.s32 s10, $0x1;
	s10 =	sld [smem:$0x3FB7]  }
0x3d: {  	_ =	shalt  }
0x3e: {  	_ =	shalt  }
0x3f: {  	_ =	shalt  }
0x40: {  	_ =	shalt  }
0x41: {  	_ =	shalt  }
0x42: {  	_ =	shalt  }
0x43: {  	_ =	shalt  }
0x44: {  	_ =	shalt  }
0x45: {  	_ =	shalt  }
0x46: {  	_ =	shalt  }
0x47: {  	_ =	shalt  }
0x48: {  	_ =	shalt  }
0x49: {  	_ =	shalt  }
0x4a: {  	_ =	shalt  }
0x4b: {  	_ =	shalt  }
0x4c: {  	_ =	shalt  }
0x4d: {  	_ =	shalt  }
0x4e: {  	_ =	shalt  }
0x4f: {  	_ =	shalt  }
0x50: {  	_ =	shalt  }
0x51: {  	_ =	shalt  }
0x52: {  	_ =	shalt  }
0x53: {  	_ =	shalt  }
0x54: {  	_ =	shalt  }
0x55: {  	_ =	shalt  }
0x56: {  	_ =	shalt  }
0x57: {  	_ =	shalt  }
0x58: {  	_ =	shalt  }
0x59: {  	_ =	shalt  }
0x5a: {  	_ =	shalt  }
0x5b: {  	_ =	shalt  }
0x5c: {  	_ =	shalt  }
0x5d: {  	_ =	shalt  }
0x5e: {  	_ =	shalt  }
0x5f: {  	_ =	shalt  }
0x60: {  	_ =	shalt  }
0x61: {  	_ =	shalt  }
0x62: {  	_ =	shalt  }
0x63: {  	_ =	shalt  }
0x64: {  	_ =	shalt  }
0x65: {  	_ =	shalt  }
0x66: {  	_ =	shalt  }
0x67: {  	_ =	shalt  }
0x68: {  	_ =	shalt  }
0x69: {  	_ =	shalt  }
0x6a: {  	_ =	shalt  }
0x6b: {  	_ =	shalt  }
0x6c: {  	_ =	shalt  }
0x6d: {  	_ =	shalt  }
0x6e: {  	_ =	shalt  }
0x6f: {  	_ =	shalt  }
0x70: {  	_ =	shalt  }
0x71: {  	_ =	shalt  }
0x72: {  	_ =	shalt  }
0x73: {  	_ =	shalt  }
0x74: {  	_ =	shalt  }
0x75: {  	_ =	shalt  }
0x76: {  	_ =	shalt  }
0x77: {  	_ =	shalt  }
0x78: {  	_ =	shalt  }
0x79: {  	_ =	shalt  }
0x7a: {  	_ =	shalt  }
0x7b: {  	_ =	shalt  }
0x7c: {  	_ =	shalt  }
0x7d: {  	_ =	shalt  }
0x7e: {  	_ =	shalt  }
0x7f: {  	_ =	shalt  }
0x80: {  	_ =	shalt  }
0x81: {  	_ =	shalt  }
0x82: {  	_ =	shalt  }
0x83: {  	_ =	shalt  }
0x84: {  	_ =	shalt  }
0x85: {  	_ =	shalt  }
0x86: {  	_ =	shalt  }
0x87: {  	_ =	shalt  }
.Lfunc_end0:
.L_simem_size_0:
called_computation_lowered:
.L_overlay_start_0:
0x88: {  	s0 =	sld [smem:$0x3FD9]  }
0x89: {  	s1 =	sld [smem:$0x3FFE];
	_ =	sdelay $0x3  }
0x8a: {  	s0 =	sadd.s32 s1, s0  }
0x8b: {  	[smem:$0x3FC3] =	sst s0  }
0x8c: {  	_ = 	snop  }
0x8d: {  	s0 =	sld [smem:$0x3FD0];
	(tm) =	ssettm $0x1  }
0x8e: {  	s16 =	sld [smem:$0x3FFB];
	_ =	sdelay $0x3  }
0x8f: {  	_ =	strace s16  }
0x90: {  	s1 =	sld [smem:$0x3FFC];
	_ =	sdelay $0x3  }
0x91: {  	_ =	strace s1  }
0x92: {  	s1 =	sld [smem:$0x3FFD];
	_ =	sdelay $0x3  }
0x93: {  	_ =	strace s1  }
0x94: {  	_ =	strace $0x8FFFFFFF  }
0x95: {  	s17 =	sld [smem:$0x3FDB];
	_ =	sdelay $0x1  }
0x96: {  	s2 =	simm.s32 $_scs_section_size  }
0x97: {  	s3 =	simm.s32 $_size__tile_overlayer_lowered;
	s4 =	simm.s32 $_tile_overlayer_lowered  }
0x98: {  	s20 =	simm.s32 $0x1BFF;
	s19 =	sshll.u32 s4, $0x1;
	s1 =	sadd.s32 s2, s17  }
0x99: {  	s5 =	simm.s32 $0x0;
	s18 =	sshll.u32 s3, $0x1;
	s3 =	sadd.s32 s19, s1  }
0x9a: {  	[timem:s5], [sflag:s20] =	dma.local [hbm:s3], s18  }
0x9b: {  	_ =	swait.ge [sflag:s20], s18  }
0x9c: {  	s2 =	ssub.s32 $0x0, s18;
	[sflag:s20] =	ssyncset.done $0x0  }
0x9d: {  	[sflag:s20] =	ssyncadd.s32 s2;
	_ =	sdelay $0x1  }
0x9e: {  	s21 =	simm.s32 $0x1B8B  }
0x9f: {  	_ =	swait.ge [sflag:s21], $0x1  }
0xa0: {  	[sflag:s21] =	ssyncset.done $0x0  }
0xa1: {  	s23 =	simm.s32 $0x1B8E;
	s22 =	sld [smem:$0x3FFE];
	[sflag:s21] =	ssyncadd.s32 $0xFFFFFFFF  }
0xa2: {  	s24 =	simm.s32 $execute0_lowered;
	[smem:$0x3FD2] =	sst s23  }
0xa3: {  	s3 =	sshll.u32 s24, $0x1;
	_ =	strace $0x80000046;
	[dreg:$0x1] =	wrdreg $0xFFFFFFFF  }
0xa4: {  	s25 =	simm.s32 $_size_execute0_lowered;
	s1 =	sadd.s32 s1, s3;
	[dreg:$0x0] =	wrdreg $0x0  }
0xa5: {  	s3 =	sshll.u32 s25, $0x1;
	[dreg:$0x2] =	wrdreg s1  }
0xa6: {  	[dreg:$0x3] =	wrdreg s3  }
0xa7: {  	[dreg:$0x4] =	wrdreg $0xC0  }
0xa8: {  	_ =	task [dreg:s5], $0x5FFFF  }
0xa9: {  	[dreg:$0x1] =	wrdreg $0xFFFFFFFF  }
0xaa: {  	[dreg:$0x0] =	wrdreg $0x60  }
0xab: {  	[dreg:$0x2] =	wrdreg s22  }
0xac: {  	[dreg:$0x3] =	wrdreg s0  }
0xad: {  	[dreg:$0x4] =	wrdreg $0xBC000  }
0xae: {  	[dreg:$0x5] =	wrdreg $0x9  }
0xaf: {  	_ =	task.clear_ibuf [dreg:s5], $0x6FFFF;
	_ =	strace $0x90000046  }
0xb0: {  	s26 =	simm.s32 $0x9;
	_ =	strace $0x80000048  }
0xb1: {  	_ =	swait.ge [sflag:s26], $0x1  }
0xb2: {  	[sflag:s26] =	ssyncadd.s32 $0xFFFFFFFF  }
0xb3: {  	_ =	strace $0x90000048  }
0xb4: {  	_ =	sfence  }
0xb5: {  	s28 =	sld [smem:$0x0];
	_ =	sdelay $0x1  }
0xb6: {  	s29 =	srdreg.scid  }
0xb7: {  	s30 =	sshll.u32 s29, $0xD;
	s31 =	sshrl.u32 s29, $0x2  }
0xb8: {  	s2 =	sand.u32 $0x4000, s30;
	s1 =	sand.u32 $0x1, s29;
	s0 =	sadd.s32 s31, s28  }
0xb9: {  	s1 =	sor.u32 s2, s1;
	s0 =	sshll.u32 s0, $0x11  }
0xba: {  	s0 =	sor.u32 s0, s1  }
0xbb: {  	s0 =	sadd.s32 $0x8F2B, s0  }
0xbc: {  	[sflag:s0] =	ssyncadd.remote.s32 $0x1  }
0xbd: {  	_ =	sfence.sel $0xFFFF  }
0xbe: {  	[dreg:$0x0] =	wrdreg $0xFFFFFFFF;
	(pc) =	sbr.abs _section_cstart, $3  }
0xbf: {  	[dreg:$0x1] =	wrdreg $0xFFFFFFFF  }
0xc0: {  	_ =	task.clear_ibuf [dreg:s5], $0x2FFFF;
	_ =	strace $0x9FFFFFFF  }
0xc1: {  	(tm) =	ssettm $0x7FFFFFFF  }
tec
execute0_lowered:
.L_overlay_start_1:
0x0: {  	(tag) =	ssettag $0x1  }
0x1: {  	s1 =	rddreg [dreg:$0x0]  }
0x2: {  	s7 =	rddreg [dreg:$0x1]  }
0x3: {  	s2 =	rddreg [dreg:$0x2]  }
0x4: {  	s0 =	rddreg [dreg:$0x3];
	s3 =	simm.s32 $0x0  }
0x5: {  	s5 =	simm.s32 $0x0;
	s9 =	simm.s32 $0x200;
	[smem:$0x7FF] =	sst s3  }
0x6: {  	s4 =	sadd.s32 $0x5600, s1;
	s8 =	sadd.s32 $0x600, s1;
	s6 =	sadd.s32 $0x13DE00, s1  }
0x7: {  	v0 =	vimm.f32 $0.0e+00;
	s3 =	sadd.s32 $0x142E00, s1;
	s1 =	stileid.u32;
	_ =	strace $0x80000047  }
.LBB2_1:
0x8: {  	p0 =	sne.s32 s9, $0xFE00;
	[tilespmem:s5+$0x3C70] =	vst v0  }
0x9: {  	[tilespmem:s5+$0x3C00] =	vst v0  }
0xa: {  	[tilespmem:s5+$0x3C10] =	vst v0  }
.Ltmp0:
0xb: {  	[tilespmem:s5+$0x3C20] =	vst v0;
	(pc) =	sbr.rel @p0 .LBB2_1-.Ltmp0, $4  }
0xc: {  	[tilespmem:s5+$0x3C30] =	vst v0  }
0xd: {  	[tilespmem:s5+$0x3C40] =	vst v0  }
0xe: {  	[tilespmem:s5+$0x3C50] =	vst v0  }
0xf: {  	[tilespmem:s5+$0x3C60] =	vst v0;
	s5 =	sshra.s32 s9, $0x2;
	s9 =	sadd.s32 $0x200, s9  }
0x10: {  	[tilespmem:s5+$0x3C70] =	vst v0  }
0x11: {  	[tilespmem:s5+$0x3C00] =	vst v0  }
0x12: {  	[tilespmem:s5+$0x3C10] =	vst v0  }
0x13: {  	[tilespmem:s5+$0x3C20] =	vst v0  }
0x14: {  	[tilespmem:s5+$0x3C30] =	vst v0;
	s9 =	smul.u32 $0x4F000, s1  }
0x15: {  	[tilespmem:s5+$0x3C40] =	vst v0  }
0x16: {  	[tilespmem:s5+$0x3C50] =	vst v0;
	s9 =	sshrl.u32 s9, $0x2  }
0x17: {  	[tilespmem:s5+$0x3C60] =	vst v0;
	s23 =	simm.s32 $0x3C00;
	s10 =	simm.s32 $0x2;
	s5 =	sadd.s32 s9, s2  }
0x18: {  	[spmem:s5] =	stream.linear.scatter [tilespmem:s23], [sflag:$0x2], $0x4000, $0x38;
	[tilespmem:$0x1F800] =	vst v63  }
0x19: {  	_ =	swait.ge [sflag:s10], $0x4000  }
0x1a: {  	[sflag:s10] =	ssyncset.done $0x0  }
0x1b: {  	s11 =	sadd.s32 $0x4000, s5;
	[sflag:s10] =	ssyncadd.s32 $0xFFFFC000  }
0x1c: {  	[spmem:s11] =	stream.linear.scatter [tilespmem:s23], [sflag:$0x2], $0x4000, $0x38;
	[tilespmem:$0x1F800] =	vst v63  }
0x1d: {  	_ =	swait.ge [sflag:s10], $0x4000  }
0x1e: {  	[sflag:s10] =	ssyncset.done $0x0  }
0x1f: {  	s24 =	sadd.s32 $0x8000, s5;
	[sflag:s10] =	ssyncadd.s32 $0xFFFFC000  }
0x20: {  	[spmem:s24] =	stream.linear.scatter [tilespmem:s23], [sflag:$0x2], $0x4000, $0x38;
	[tilespmem:$0x1F800] =	vst v63  }
0x21: {  	_ =	swait.ge [sflag:s10], $0x4000  }
0x22: {  	[sflag:s10] =	ssyncset.done $0x0  }
0x23: {  	s25 =	sadd.s32 $0xC000, s5;
	[sflag:s10] =	ssyncadd.s32 $0xFFFFC000  }
0x24: {  	[spmem:s25] =	stream.linear.scatter [tilespmem:s23], [sflag:$0x2], $0x4000, $0x38;
	[tilespmem:$0x1F800] =	vst v63  }
0x25: {  	_ =	swait.ge [sflag:s10], $0x4000  }
0x26: {  	[sflag:s10] =	ssyncset.done $0x0  }
0x27: {  	s26 =	sadd.s32 $0x10000, s5;
	[sflag:s10] =	ssyncadd.s32 $0xFFFFC000  }
0x28: {  	[spmem:s26] =	stream.linear.scatter [tilespmem:s23], [sflag:$0x2], $0x3C00, $0x38;
	[tilespmem:$0x1F800] =	vst v63  }
0x29: {  	_ =	swait.ge [sflag:s10], $0x3C00  }
0x2a: {  	s28 =	smul.u32 $0x500, s1;
	[sflag:s10] =	ssyncset.done $0x0  }
0x2b: {  	s12 =	simm.s32 $0x0;
	[sflag:s10] =	ssyncadd.s32 $0xFFFFC400  }
0x2c: {  	s13 =	simm.s32 $0x2800;
	s29 =	sadd.s32 s7, s28;
	[bflag:$0x0] =	sbarrier.arrive $0xFFFF  }
0x2d: {  	[tilespmem:s13], [sflag:$0x2] =	stream.linear.gather [hbm4b:s29+s12], $0x1400, $0x38;
	[tilespmem:$0x1F800] =	vst v63  }
0x2e: {  	_ =	swait.ge [sflag:s10], $0x1400  }
0x2f: {  	[sflag:s10] =	ssyncset.done $0x0  }
0x30: {  	s30 =	sadd.s32 s8, s28;
	[sflag:s10] =	ssyncadd.s32 $0xFFFFEC00  }
0x31: {  	[tilespmem:s12], [sflag:$0x2] =	stream.linear.gather [hbm4b:s30+s12], $0x1400, $0x38;
	[tilespmem:$0x1F800] =	vst v63  }
0x32: {  	_ =	swait.ge [sflag:s10], $0x1400  }
0x33: {  	[sflag:s10] =	ssyncset.done $0x0  }
0x34: {  	s31 =	simm.s32 $0x1400;
	s9 =	sadd.s32 s6, s28;
	[sflag:s10] =	ssyncadd.s32 $0xFFFFEC00  }
0x35: {  	[tilespmem:s31], [sflag:$0x2] =	stream.linear.gather [hbm4b:s9+s12], $0x1400, $0x38;
	[tilespmem:$0x1F800] =	vst v63  }
0x36: {  	_ =	swait.ge [sflag:s10], $0x1400  }
0x37: {  	[sflag:s10] =	ssyncset.done $0x0  }
0x38: {  	s9 =	simm.s32 $0x0;
	[sflag:s10] =	ssyncadd.s32 $0xFFFFEC00  }
0x39: {  	v6 =	vld [tilespmem:s9+$0x0]  }
0x3a: {  	v11 =	vld [tilespmem:s9+$0x10]  }
0x3b: {  	v5 =	vld [tilespmem:s9+$0x20]  }
0x3c: {  	v4 =	vld [tilespmem:s9+$0x30]  }
0x3d: {  	v3 =	vld [tilespmem:s9+$0x40]  }
0x3e: {  	v2 =	vld [tilespmem:s9+$0x50]  }
0x3f: {  	v1 =	vld [tilespmem:s9+$0x60]  }
0x40: {  	v0 =	vld [tilespmem:s9+$0x70]  }
0x41: {  	v10 =	vld [tilespmem:s9+$0x2800]  }
0x42: {  	v9 =	vld [tilespmem:s9+$0x2810]  }
0x43: {  	v8 =	vld [tilespmem:s9+$0x2820]  }
0x44: {  	v7 =	vld [tilespmem:s9+$0x2830];
	v12 =	vmul.u32 $0x2710, v6  }
0x45: {  	s10 =	simm.s32 $0x200;
	v11 =	vmul.u32 $0x2710, v11;
	v6 =	vld [tilespmem:s9+$0x2840]  }
.LBB2_3:
0x46: {  	p0 =	sne.s32 s10, $0x4E00;
	v10 =	vadd.s32 v10, v12;
	v5 =	vmul.u32 $0x2710, v5;
	v12 =	vld [tilespmem:s9+$0x2850]  }
0x47: {  	v4 =	vmul.u32 $0x2710, v4;
	[tilespmem:s9+$0x2800] =	vst v10;
	v9 =	vadd.s32 v9, v11;
	v10 =	vld [tilespmem:s9+$0x2860]  }
0x48: {  	s11 =	sshra.s32 s10, $0x2;
	v3 =	vmul.u32 $0x2710, v3;
	[tilespmem:s9+$0x2810] =	vst v9;
	v5 =	vadd.s32 v8, v5;
	v8 =	vld [tilespmem:s9+$0x2870]  }
0x49: {  	v2 =	vmul.u32 $0x2710, v2;
	v11 =	vld [tilespmem:s11+$0x0];
	[tilespmem:s9+$0x2820] =	vst v5;
	v4 =	vadd.s32 v7, v4  }
0x4a: {  	v1 =	vmul.u32 $0x2710, v1;
	v13 =	vld [tilespmem:s11+$0x10];
	[tilespmem:s9+$0x2830] =	vst v4;
	v3 =	vadd.s32 v6, v3  }
0x4b: {  	v0 =	vmul.u32 $0x2710, v0;
	v5 =	vld [tilespmem:s11+$0x20];
	[tilespmem:s9+$0x2840] =	vst v3;
	v2 =	vadd.s32 v12, v2  }
0x4c: {  	v4 =	vld [tilespmem:s11+$0x30];
	[tilespmem:s9+$0x2850] =	vst v2;
	v1 =	vadd.s32 v10, v1  }
0x4d: {  	v3 =	vld [tilespmem:s11+$0x40];
	[tilespmem:s9+$0x2860] =	vst v1;
	v0 =	vadd.s32 v8, v0  }
0x4e: {  	v2 =	vld [tilespmem:s11+$0x50];
	[tilespmem:s9+$0x2870] =	vst v0;
	s9 =	smov.u32 s11  }
0x4f: {  	v1 =	vld [tilespmem:s9+$0x60]  }
0x50: {  	v0 =	vld [tilespmem:s9+$0x70]  }
.Ltmp1:
0x51: {  	v10 =	vld [tilespmem:s9+$0x2800];
	(pc) =	sbr.rel @p0 .LBB2_3-.Ltmp1, $4  }
0x52: {  	v9 =	vld [tilespmem:s9+$0x2810]  }
0x53: {  	v8 =	vld [tilespmem:s9+$0x2820]  }
0x54: {  	v12 =	vmul.u32 $0x2710, v11;
	v7 =	vld [tilespmem:s9+$0x2830]  }
0x55: {  	s10 =	sadd.s32 $0x200, s10;
	v11 =	vmul.u32 $0x2710, v13;
	v6 =	vld [tilespmem:s9+$0x2840]  }
0x56: {  	v10 =	vadd.s32 v10, v12;
	v61 =	vld [tilespmem:s9+$0x2850];
	v5 =	vmul.u32 $0x2710, v5  }
0x57: {  	v62 =	vld [tilespmem:s9+$0x2860];
	v4 =	vmul.u32 $0x2710, v4;
	[tilespmem:s9+$0x2800] =	vst v10;
	v9 =	vadd.s32 v9, v11  }
0x58: {  	v3 =	vmul.u32 $0x2710, v3;
	v63 =	vld [tilespmem:s9+$0x2870];
	[tilespmem:s9+$0x2810] =	vst v9;
	v5 =	vadd.s32 v8, v5  }
0x59: {  	v2 =	vmul.u32 $0x2710, v2;
	[tilespmem:s9+$0x2820] =	vst v5;
	v4 =	vadd.s32 v7, v4  }
0x5a: {  	v1 =	vmul.u32 $0x2710, v1;
	[tilespmem:s9+$0x2830] =	vst v4;
	v3 =	vadd.s32 v6, v3  }
0x5b: {  	v0 =	vmul.u32 $0x2710, v0;
	[tilespmem:s9+$0x2840] =	vst v3;
	v2 =	vadd.s32 v61, v2  }
0x5c: {  	v1 =	vadd.s32 v62, v1;
	[tilespmem:s9+$0x2850] =	vst v2  }
0x5d: {  	s10 =	simm.s32 $0x2800;
	s28 =	simm.s32 $0x0;
	v0 =	vadd.s32 v63, v0;
	[tilespmem:s9+$0x2860] =	vst v1  }
0x5e: {  	s11 =	simm.s32 $0x3C00;
	s12 =	sand.u32 $0x4000, s28;
	[tilespmem:s9+$0x2870] =	vst v0;
	s9 =	simm.s32 $0x80  }
0x5f: {  	[tilespmem:s11], [sflag:$0x1] =	stream.indirect.gather [hbm4b:s4+s9], $0x80, s10, s9, $0xb8;
	[tilespmem:$0x1F800] =	vst v63  }
0x60: {  	s29 =	simm.s32 $0x2880;
	s13 =	sxor.u32 $0x7C00, s12;
	s10 =	simm.s32 $0x1  }
0x61: {  	[tilespmem:s13], [sflag:$0x1] =	stream.indirect.gather [hbm4b:s4+s9], $0x80, s29, s9, $0xb8;
	[tilespmem:$0x1F800] =	vst v63  }
0x62: {  	_ =	swait.ge [sflag:s10], $0x4000  }
0x63: {  	s30 =	simm.s32 $0x1400;
	s31 =	simm.s32 $0x4000;
	[sflag:s10] =	ssyncset.done $0x0  }
0x64: {  	s12 =	sor.u32 $0x3C00, s12;
	s11 =	simm.s32 $0x2;
	[sflag:s10] =	ssyncadd.s32 $0xFFFFC000  }
0x65: {  	[spmem:s2] =	stream.indirect.scatter.add.f32 [tilespmem:s12], [sflag:$0x2], $0x80, s30, s9, $0xb8;
	[tilespmem:$0x1F800] =	vst v63  }
0x66: {  	s15 =	simm.s32 $0x2;
	s14 =	sand.u32 $0x4000, s31;
	_ =	swait.ge [sflag:s11], $0x4000  }
0x67: {  	s13 =	simm.s32 $0x2900;
	s12 =	simm.s32 $0x1480;
	[sflag:s11] =	ssyncset.done $0x0  }
.LBB2_5:
0x68: {  	s16 =	sxor.u32 $0x7C00, s14  }
0x69: {  	[sflag:s11] =	ssyncadd.s32 $0xFFFFC000;
	s17 =	smov.u32 s15;
	s18 =	sadd.s32 $0x1, s15  }
0x6a: {  	[tilespmem:s16], [sflag:$0x1] =	stream.indirect.gather [hbm4b:s4+s9], $0x80, s13, s9, $0xb8;
	[tilespmem:$0x1F800] =	vst v63  }
0x6b: {  	p0 =	sne.s32 s15, $0x26;
	_ =	swait.ge [sflag:s10], $0x4000  }
.Ltmp2:
0x6c: {  	[sflag:s10] =	ssyncset.done $0x0;
	(pc) =	sbr.rel @p0 .LBB2_5-.Ltmp2, $4  }
0x6d: {  	s14 =	sor.u32 $0x3C00, s14;
	s13 =	sadd.s32 $0x80, s13;
	[sflag:s10] =	ssyncadd.s32 $0xFFFFC000  }
0x6e: {  	[spmem:s2] =	stream.indirect.scatter.add.f32 [tilespmem:s14], [sflag:$0x2], $0x80, s12, s9, $0xb8;
	[tilespmem:$0x1F800] =	vst v63  }
0x6f: {  	s15 =	smov.u32 s18;
	s14 =	sshll.u32 s17, $0xE;
	_ =	swait.ge [sflag:s11], $0x4000  }
0x70: {  	s12 =	sadd.s32 $0x80, s12;
	s14 =	sand.u32 $0x4000, s14;
	[sflag:s11] =	ssyncset.done $0x0  }
0x71: {  	s15 =	sxor.u32 $0x7C00, s14;
	[sflag:s11] =	ssyncadd.s32 $0xFFFFC000  }
0x72: {  	[tilespmem:s15], [sflag:$0x1] =	stream.indirect.gather [hbm4b:s4+s9], $0x80, s13, s9, $0xb8;
	[tilespmem:$0x1F800] =	vst v63  }
0x73: {  	_ =	swait.ge [sflag:s10], $0x4000  }
0x74: {  	[sflag:s10] =	ssyncset.done $0x0  }
0x75: {  	s20 =	sor.u32 $0x3C00, s14;
	[sflag:s10] =	ssyncadd.s32 $0xFFFFC000  }
0x76: {  	[spmem:s2] =	stream.indirect.scatter.add.f32 [tilespmem:s20], [sflag:$0x2], $0x80, s12, s9, $0xb8;
	[tilespmem:$0x1F800] =	vst v63  }
0x77: {  	_ =	swait.ge [sflag:s11], $0x4000  }
0x78: {  	[sflag:s11] =	ssyncset.done $0x0  }
0x79: {  	s21 =	simm.s32 $0x1;
	[sflag:s11] =	ssyncadd.s32 $0xFFFFC000  }
0x7a: {  	s22 =	simm.s32 $0x80;
	_ =	swait.ge [sflag:s21], $0x4000  }
0x7b: {  	s23 =	simm.s32 $0x2780;
	s24 =	simm.s32 $0x7C00;
	[sflag:s21] =	ssyncset.done $0x0  }
0x7c: {  	s25 =	simm.s32 $0x2;
	s26 =	smul.u32 $0x2800, s1;
	[sflag:s21] =	ssyncadd.s32 $0xFFFFC000  }
0x7d: {  	[spmem:s2] =	stream.indirect.scatter.add.f32 [tilespmem:s24], [sflag:$0x2], $0x80, s23, s22, $0xb8;
	[tilespmem:$0x1F800] =	vst v63  }
0x7e: {  	s10 =	sshrl.u32 s26, $0x3;
	_ =	swait.ge [sflag:s25], $0x4000  }
0x7f: {  	s28 =	simm.s32 $0x0;
	s10 =	sadd.s32 $0x280, s10;
	[sflag:s25] =	ssyncset.done $0x0  }
0x80: {  	s29 =	simm.s32 $0x2800;
	s7 =	sadd.s32 s7, s10;
	[sflag:s25] =	ssyncadd.s32 $0xFFFFC000  }
0x81: {  	[tilespmem:s29], [sflag:$0x2] =	stream.linear.gather [hbm4b:s7+s28], $0x1400, $0x38;
	[tilespmem:$0x1F800] =	vst v63  }
0x82: {  	_ =	swait.ge [sflag:s25], $0x1400  }
0x83: {  	[sflag:s25] =	ssyncset.done $0x0  }
0x84: {  	s30 =	sadd.s32 s8, s10;
	[sflag:s25] =	ssyncadd.s32 $0xFFFFEC00  }
0x85: {  	[tilespmem:s28], [sflag:$0x2] =	stream.linear.gather [hbm4b:s30+s28], $0x1400, $0x38;
	[tilespmem:$0x1F800] =	vst v63  }
0x86: {  	_ =	swait.ge [sflag:s25], $0x1400  }
0x87: {  	[sflag:s25] =	ssyncset.done $0x0  }
0x88: {  	s31 =	simm.s32 $0x1400;
	s6 =	sadd.s32 s6, s10;
	[sflag:s25] =	ssyncadd.s32 $0xFFFFEC00  }
0x89: {  	[tilespmem:s31], [sflag:$0x2] =	stream.linear.gather [hbm4b:s6+s28], $0x1400, $0x38;
	[tilespmem:$0x1F800] =	vst v63  }
0x8a: {  	_ =	swait.ge [sflag:s25], $0x1400  }
0x8b: {  	[sflag:s25] =	ssyncset.done $0x0  }
0x8c: {  	s6 =	simm.s32 $0x0;
	[sflag:s25] =	ssyncadd.s32 $0xFFFFEC00  }
0x8d: {  	v6 =	vld [tilespmem:s6+$0x0]  }
0x8e: {  	v11 =	vld [tilespmem:s6+$0x10]  }
0x8f: {  	v5 =	vld [tilespmem:s6+$0x20]  }
0x90: {  	v4 =	vld [tilespmem:s6+$0x30]  }
0x91: {  	v3 =	vld [tilespmem:s6+$0x40]  }
0x92: {  	v2 =	vld [tilespmem:s6+$0x50]  }
0x93: {  	v1 =	vld [tilespmem:s6+$0x60]  }
0x94: {  	v0 =	vld [tilespmem:s6+$0x70]  }
0x95: {  	v10 =	vld [tilespmem:s6+$0x2800]  }
0x96: {  	v9 =	vld [tilespmem:s6+$0x2810]  }
0x97: {  	v8 =	vld [tilespmem:s6+$0x2820]  }
0x98: {  	v7 =	vld [tilespmem:s6+$0x2830];
	v12 =	vmul.u32 $0x2710, v6  }
0x99: {  	s7 =	simm.s32 $0x200;
	v11 =	vmul.u32 $0x2710, v11;
	v6 =	vld [tilespmem:s6+$0x2840]  }
.LBB2_7:
0x9a: {  	p0 =	sne.s32 s7, $0x4E00;
	v10 =	vadd.s32 v10, v12;
	v5 =	vmul.u32 $0x2710, v5;
	v12 =	vld [tilespmem:s6+$0x2850]  }
0x9b: {  	v4 =	vmul.u32 $0x2710, v4;
	[tilespmem:s6+$0x2800] =	vst v10;
	v9 =	vadd.s32 v9, v11;
	v10 =	vld [tilespmem:s6+$0x2860]  }
0x9c: {  	s8 =	sshra.s32 s7, $0x2;
	v3 =	vmul.u32 $0x2710, v3;
	[tilespmem:s6+$0x2810] =	vst v9;
	v5 =	vadd.s32 v8, v5;
	v8 =	vld [tilespmem:s6+$0x2870]  }
0x9d: {  	v2 =	vmul.u32 $0x2710, v2;
	v11 =	vld [tilespmem:s8+$0x0];
	[tilespmem:s6+$0x2820] =	vst v5;
	v4 =	vadd.s32 v7, v4  }
0x9e: {  	v1 =	vmul.u32 $0x2710, v1;
	v13 =	vld [tilespmem:s8+$0x10];
	[tilespmem:s6+$0x2830] =	vst v4;
	v3 =	vadd.s32 v6, v3  }
0x9f: {  	v0 =	vmul.u32 $0x2710, v0;
	v5 =	vld [tilespmem:s8+$0x20];
	[tilespmem:s6+$0x2840] =	vst v3;
	v2 =	vadd.s32 v12, v2  }
0xa0: {  	v4 =	vld [tilespmem:s8+$0x30];
	[tilespmem:s6+$0x2850] =	vst v2;
	v1 =	vadd.s32 v10, v1  }
0xa1: {  	v3 =	vld [tilespmem:s8+$0x40];
	[tilespmem:s6+$0x2860] =	vst v1;
	v0 =	vadd.s32 v8, v0  }
0xa2: {  	v2 =	vld [tilespmem:s8+$0x50];
	[tilespmem:s6+$0x2870] =	vst v0;
	s6 =	smov.u32 s8  }
0xa3: {  	v1 =	vld [tilespmem:s6+$0x60]  }
0xa4: {  	v0 =	vld [tilespmem:s6+$0x70]  }
.Ltmp3:
0xa5: {  	v10 =	vld [tilespmem:s6+$0x2800];
	(pc) =	sbr.rel @p0 .LBB2_7-.Ltmp3, $4  }
0xa6: {  	v9 =	vld [tilespmem:s6+$0x2810]  }
0xa7: {  	v8 =	vld [tilespmem:s6+$0x2820]  }
0xa8: {  	v12 =	vmul.u32 $0x2710, v11;
	v7 =	vld [tilespmem:s6+$0x2830]  }
0xa9: {  	s7 =	sadd.s32 $0x200, s7;
	v11 =	vmul.u32 $0x2710, v13;
	v6 =	vld [tilespmem:s6+$0x2840]  }
0xaa: {  	v10 =	vadd.s32 v10, v12;
	v61 =	vld [tilespmem:s6+$0x2850];
	v5 =	vmul.u32 $0x2710, v5  }
0xab: {  	v62 =	vld [tilespmem:s6+$0x2860];
	v4 =	vmul.u32 $0x2710, v4;
	[tilespmem:s6+$0x2800] =	vst v10;
	v9 =	vadd.s32 v9, v11  }
0xac: {  	v3 =	vmul.u32 $0x2710, v3;
	v63 =	vld [tilespmem:s6+$0x2870];
	[tilespmem:s6+$0x2810] =	vst v9;
	v5 =	vadd.s32 v8, v5  }
0xad: {  	v2 =	vmul.u32 $0x2710, v2;
	[tilespmem:s6+$0x2820] =	vst v5;
	v4 =	vadd.s32 v7, v4  }
0xae: {  	v1 =	vmul.u32 $0x2710, v1;
	[tilespmem:s6+$0x2830] =	vst v4;
	v3 =	vadd.s32 v6, v3  }
0xaf: {  	v0 =	vmul.u32 $0x2710, v0;
	[tilespmem:s6+$0x2840] =	vst v3;
	v2 =	vadd.s32 v61, v2  }
0xb0: {  	v1 =	vadd.s32 v62, v1;
	[tilespmem:s6+$0x2850] =	vst v2  }
0xb1: {  	s7 =	simm.s32 $0x2800;
	s28 =	simm.s32 $0x0;
	v0 =	vadd.s32 v63, v0;
	[tilespmem:s6+$0x2860] =	vst v1  }
0xb2: {  	s8 =	simm.s32 $0x3C00;
	s9 =	sand.u32 $0x4000, s28;
	[tilespmem:s6+$0x2870] =	vst v0;
	s6 =	simm.s32 $0x80  }
0xb3: {  	[tilespmem:s8], [sflag:$0x1] =	stream.indirect.gather [hbm4b:s4+s6], $0x80, s7, s6, $0xb8;
	[tilespmem:$0x1F800] =	vst v63  }
0xb4: {  	s29 =	simm.s32 $0x2880;
	s10 =	sxor.u32 $0x7C00, s9;
	s7 =	simm.s32 $0x1  }
0xb5: {  	[tilespmem:s10], [sflag:$0x1] =	stream.indirect.gather [hbm4b:s4+s6], $0x80, s29, s6, $0xb8;
	[tilespmem:$0x1F800] =	vst v63  }
0xb6: {  	_ =	swait.ge [sflag:s7], $0x4000  }
0xb7: {  	s30 =	simm.s32 $0x1400;
	s31 =	simm.s32 $0x4000;
	[sflag:s7] =	ssyncset.done $0x0  }
0xb8: {  	s9 =	sor.u32 $0x3C00, s9;
	s8 =	simm.s32 $0x2;
	[sflag:s7] =	ssyncadd.s32 $0xFFFFC000  }
0xb9: {  	[spmem:s2] =	stream.indirect.scatter.add.f32 [tilespmem:s9], [sflag:$0x2], $0x80, s30, s6, $0xb8;
	[tilespmem:$0x1F800] =	vst v63  }
0xba: {  	s12 =	simm.s32 $0x2;
	s11 =	sand.u32 $0x4000, s31;
	_ =	swait.ge [sflag:s8], $0x4000  }
0xbb: {  	s10 =	simm.s32 $0x2900;
	s9 =	simm.s32 $0x1480;
	[sflag:s8] =	ssyncset.done $0x0  }
.LBB2_9:
0xbc: {  	s13 =	sxor.u32 $0x7C00, s11  }
0xbd: {  	[sflag:s8] =	ssyncadd.s32 $0xFFFFC000;
	s14 =	smov.u32 s12;
	s15 =	sadd.s32 $0x1, s12  }
0xbe: {  	[tilespmem:s13], [sflag:$0x1] =	stream.indirect.gather [hbm4b:s4+s6], $0x80, s10, s6, $0xb8;
	[tilespmem:$0x1F800] =	vst v63  }
0xbf: {  	p0 =	sne.s32 s12, $0x26;
	_ =	swait.ge [sflag:s7], $0x4000  }
.Ltmp4:
0xc0: {  	[sflag:s7] =	ssyncset.done $0x0;
	(pc) =	sbr.rel @p0 .LBB2_9-.Ltmp4, $4  }
0xc1: {  	s11 =	sor.u32 $0x3C00, s11;
	s10 =	sadd.s32 $0x80, s10;
	[sflag:s7] =	ssyncadd.s32 $0xFFFFC000  }
0xc2: {  	[spmem:s2] =	stream.indirect.scatter.add.f32 [tilespmem:s11], [sflag:$0x2], $0x80, s9, s6, $0xb8;
	[tilespmem:$0x1F800] =	vst v63  }
0xc3: {  	s12 =	smov.u32 s15;
	s11 =	sshll.u32 s14, $0xE;
	_ =	swait.ge [sflag:s8], $0x4000  }
0xc4: {  	s9 =	sadd.s32 $0x80, s9;
	s11 =	sand.u32 $0x4000, s11;
	[sflag:s8] =	ssyncset.done $0x0  }
0xc5: {  	s12 =	sxor.u32 $0x7C00, s11;
	[sflag:s8] =	ssyncadd.s32 $0xFFFFC000  }
0xc6: {  	[tilespmem:s12], [sflag:$0x1] =	stream.indirect.gather [hbm4b:s4+s6], $0x80, s10, s6, $0xb8;
	[tilespmem:$0x1F800] =	vst v63  }
0xc7: {  	_ =	swait.ge [sflag:s7], $0x4000  }
0xc8: {  	[sflag:s7] =	ssyncset.done $0x0  }
0xc9: {  	s23 =	sor.u32 $0x3C00, s11;
	[sflag:s7] =	ssyncadd.s32 $0xFFFFC000  }
0xca: {  	[spmem:s2] =	stream.indirect.scatter.add.f32 [tilespmem:s23], [sflag:$0x2], $0x80, s9, s6, $0xb8;
	[tilespmem:$0x1F800] =	vst v63  }
0xcb: {  	_ =	swait.ge [sflag:s8], $0x4000  }
0xcc: {  	[sflag:s8] =	ssyncset.done $0x0  }
0xcd: {  	s24 =	simm.s32 $0x1;
	[sflag:s8] =	ssyncadd.s32 $0xFFFFC000  }
0xce: {  	_ =	swait.ge [sflag:s24], $0x4000  }
0xcf: {  	s25 =	simm.s32 $0x80;
	s26 =	simm.s32 $0x2780;
	[sflag:s24] =	ssyncset.done $0x0  }
0xd0: {  	s28 =	simm.s32 $0x7C00;
	s29 =	simm.s32 $0x2;
	[sflag:s24] =	ssyncadd.s32 $0xFFFFC000  }
0xd1: {  	[spmem:s2] =	stream.indirect.scatter.add.f32 [tilespmem:s28], [sflag:$0x2], $0x80, s26, s25, $0xb8;
	[tilespmem:$0x1F800] =	vst v63  }
0xd2: {  	_ =	swait.ge [sflag:s29], $0x4000  }
0xd3: {  	s30 =	smul.u32 $0x2780, s1;
	[sflag:s29] =	ssyncset.done $0x0  }
0xd4: {  	s31 =	sshll.u32 s1, $0x6;
	s5 =	sshrl.u32 s5, $0x3;
	[sflag:s29] =	ssyncadd.s32 $0xFFFFC000  }
0xd5: {  	s4 =	sor.u32 $0x1C02, s31;
	s3 =	sadd.s32 s3, s30;
	[bflag:$0x0] =	sbarrier.arrive $0xFFFF  }
0xd6: {  	[hbm:s3], [sflag:s4] =	dma.local [spmem:s5], $0x2780  }
0xd7: {  	_ =	swait.ge [sflag:s29], $0x2780  }
0xd8: {  	[sflag:s29] =	ssyncset.done $0x0  }
0xd9: {  	[sflag:s29] =	ssyncadd.s32 $0xFFFFD880  }
0xda: {  	_ =	sfence.sel $0x180000  }
0xdb: {  	[bflag:$0x0] =	sbarrier.arrive $0xFFFF  }
0xdc: {  	p0 =	sne.s32 s1, $0x0;
	_ =	strace $0x90000047  }
0xdd: {  	s0 =	sadd.s32 @!p0 $0x100000, s0;
	[bflag:$0x2] =	sbarrier.arrive $0xFFFF  }
0xde: {  	[sflag:s0] =	ssyncadd.tile.s32 @!p0 $0x1;
	_ =	shalt  }
.Lfunc_end2:
_tile_overlayer_lowered:
.L_overlay_start_2:
0xdf: {  	(tag) =	ssettag $0x2  }
0xe0: {  	s0 =	rddreg [dreg:$0x0];
	s2 =	stileid.u32  }
0xe1: {  	s1 =	rddreg [dreg:$0x1];
	p0 =	sne.s32 s2, $0x0  }
0xe2: {  	s3 =	rddreg [dreg:$0x2];
	[bflag:$0x3] =	sbarrier.arrive $0xFFFF;
	s2 =	simm.s32 @!p0 $0x1C02  }
0xe3: {  	[timem:s3], [sflag:s2] =	dma.local @!p0 [hbm:s0], s1  }
0xe4: {  	s0 =	simm.s32 @!p0 $0x2  }
0xe5: {  	_ =	swait.ge @!p0 [sflag:s0], s1  }
0xe6: {  	s1 =	ssub.s32 @!p0 $0x0, s1;
	[sflag:s0] =	ssyncset.done @!p0 $0x0  }
0xe7: {  	[sflag:s0] =	ssyncadd.s32 @!p0 s1  }
0xe8: {  	[bflag:$0x3] =	sbarrier.arrive $0xFFFF  }
0xe9: {  	_ =	shalt  }

</sc_bundles>
